<compile_context>
chip_gen: v7x
topology: tpu7x:2x2x1
jax: 0.10.2.dev20260603
libtpu: 0.0.44.dev20260713+nightly
codegen_flags: <defaults>
</compile_context>

<pallas_src>
import functools

import jax
import jax.numpy as jnp
from jax import lax
from jax.experimental import pallas as pl
from jax.experimental.pallas import tpu as pltpu
from jax.experimental.pallas import tpu_sc as plsc

N = 10000
NP = 10240
D = 128
G = 64
NC, NS = 2, 16
NW = NC * NS
CK = 128
ZR = NP // NS
HB = NP // 128
RB = 512
NRB = NP // RB

_sc_mesh = plsc.VectorSubcoreMesh(core_axis_name="c", subcore_axis_name="s")


def _make_deg(nch):
    def body(dsts, out, idx_d, hist):
        c = lax.axis_index("c")
        s = lax.axis_index("s")
        pltpu.sync_copy(dsts.at[c, s], idx_d)
        zero = jnp.zeros((16,), jnp.float32)

        def zloop(i, carry):
            for j in range(8):
                hist[i, pl.ds(j * 16, 16)] = zero
            return carry

        lax.fori_loop(0, HB, zloop, 0)
        ones = jnp.ones((16,), jnp.float32)

        def hloop(cc, carry):
            for j in range(CK // 16):
                v = idx_d[cc, pl.ds(j * 16, 16)]
                plsc.addupdate_scatter(hist, [v >> 7, v & 127], ones)
            return carry

        lax.fori_loop(0, nch, hloop, 0)
        pltpu.sync_copy(hist, out.at[c, s])

    kern = functools.partial(
        pl.kernel,
        out_type=jax.ShapeDtypeStruct((NC, NS, HB, 128), jnp.float32),
        mesh=_sc_mesh,
        compiler_params=pltpu.CompilerParams(needs_layout_passes=False),
        scratch_types=[
            pltpu.VMEM((nch, CK), jnp.int32),
            pltpu.VMEM((HB, 128), jnp.float32),
        ],
    )
    return kern(body)


def _make_agg(nch):
    def body(hs, srcs, dsts, zrows, out, ibuf, idx_d, rows, acc,
             isem0, isem1, gsem0, gsem1, ssem0, ssem1):
        c = lax.axis_index("c")
        s = lax.axis_index("s")

        @pl.when(c == 0)
        def _():
            pltpu.sync_copy(hs.at[pl.ds(s * ZR, ZR)], acc.at[pl.ds(s * ZR, ZR)])

        @pl.when(c == 1)
        def _():
            pltpu.sync_copy(zrows, acc.at[pl.ds(s * ZR, ZR)])

        pltpu.sync_copy(dsts.at[c, s], idx_d)
        plsc.subcore_barrier()
        isems = [isem0, isem1]
        gsems = [gsem0, gsem1]
        ssems = [ssem0, ssem1]

        pltpu.sync_copy(srcs.at[c, s, 0], ibuf.at[0])
        pltpu.async_copy(srcs.at[c, s, 1], ibuf.at[1], isems[1])
        pltpu.async_copy(hs.at[ibuf.at[0]], rows.at[0], gsems[0])

        def chunk2(ii, carry):
            for b in range(2):
                cc = ii * 2 + b
                nb = 1 - b

                @pl.when(cc < nch)
                def _():
                    @pl.when(cc + 1 < nch)
                    def _():
                        @pl.when(cc >= 1)
                        def _():
                            pltpu.make_async_copy(
                                rows.at[nb], acc.at[idx_d.at[cc - 1]],
                                ssems[nb]).wait()

                        pltpu.make_async_copy(srcs.at[c, s, cc + 1],
                                              ibuf.at[nb], isems[nb]).wait()
                        pltpu.async_copy(hs.at[ibuf.at[nb]], rows.at[nb],
                                         gsems[nb])

                    pltpu.make_async_copy(hs.at[ibuf.at[b]], rows.at[b],
                                          gsems[b]).wait()
                    pltpu.async_copy(rows.at[b], acc.at[idx_d.at[cc]],
                                     ssems[b], add=True)

                    @pl.when(cc + 2 < nch)
                    def _():
                        pltpu.async_copy(srcs.at[c, s, cc + 2], ibuf.at[b],
                                         isems[b])

            return carry

        lax.fori_loop(0, (nch + 1) // 2, chunk2, 0)
        lb = (nch - 1) % 2
        pltpu.make_async_copy(rows.at[lb], acc.at[idx_d.at[nch - 1]],
                              ssems[lb]).wait()
        pltpu.make_async_copy(rows.at[1 - lb], acc.at[idx_d.at[nch - 2]],
                              ssems[1 - lb]).wait()
        plsc.subcore_barrier()
        pltpu.sync_copy(acc.at[pl.ds(s * ZR, ZR)], out.at[c, pl.ds(s * ZR, ZR)])

    kern = functools.partial(
        pl.kernel,
        out_type=jax.ShapeDtypeStruct((NC, NP, D), jnp.float32),
        mesh=_sc_mesh,
        scratch_types=[
            pltpu.VMEM((2, CK), jnp.int32),
            pltpu.VMEM((nch, CK), jnp.int32),
            pltpu.VMEM((2, CK, D), jnp.float32),
            pltpu.VMEM_SHARED((NP, D), jnp.float32),
            pltpu.SemaphoreType.DMA,
            pltpu.SemaphoreType.DMA,
            pltpu.SemaphoreType.DMA,
            pltpu.SemaphoreType.DMA,
            pltpu.SemaphoreType.DMA,
            pltpu.SemaphoreType.DMA,
        ],
    )
    return kern(body)


def _dis_from(degp_ref):
    d2 = degp_ref[0] + degp_ref[1]
    deg = jnp.sum(d2, axis=0) + 1.0
    return lax.rsqrt(deg)[:, None]


def _tc1_body(x_ref, w_ref, degp_ref, out_ref):
    dis = _dis_from(degp_ref)
    h = jnp.dot(x_ref[...], w_ref[...], preferred_element_type=jnp.float32)
    out_ref[...] = h * dis


def _tc2_body(aggp_ref, degp_ref, b_ref, w_ref, out_ref):
    dis = _dis_from(degp_ref)
    a = aggp_ref[0] + aggp_ref[1]
    z = jnp.maximum(a * dis + b_ref[...], 0.0)
    h = jnp.dot(z, w_ref[...], preferred_element_type=jnp.float32)
    out_ref[...] = h * dis


def _tc3_body(aggp_ref, degp_ref, b_ref, batch_ref, out_ref, sums, counts):
    i = pl.program_id(0)

    @pl.when(i == 0)
    def _():
        sums[...] = jnp.zeros_like(sums)
        counts[...] = jnp.zeros_like(counts)

    dis = _dis_from(degp_ref)
    a = aggp_ref[0] + aggp_ref[1]
    z = jnp.maximum(a * dis + b_ref[...], 0.0)
    b = batch_ref[0, 0, :]
    oh = (b[:, None] == lax.broadcasted_iota(jnp.int32, (RB, G), 1)
          ).astype(jnp.float32)
    dn = (((0,), (0,)), ((), ()))
    sums[...] += lax.dot_general(oh, z, dn, preferred_element_type=jnp.float32)
    counts[...] += lax.dot_general(oh, jnp.ones((RB, D), jnp.float32), dn,
                                   preferred_element_type=jnp.float32)

    @pl.when(i == NRB - 1)
    def _():
        out_ref[...] = sums[...] / jnp.maximum(counts[...], 1.0)


def kernel(x, edge_index, batch, W1, b1, W2, b2):
    E = edge_index.shape[1]
    nch = -(-E // (NW * CK))
    npad = NW * CK * nch - E

    src = edge_index[0].astype(jnp.int32)
    dst = edge_index[1].astype(jnp.int32)
    padi = jnp.arange(npad, dtype=jnp.int32)
    srcs = jnp.concatenate([src, padi % N]).reshape(NC, NS, nch, CK)
    dsts = jnp.concatenate([dst, N + (padi % (NP - N))]
                           ).reshape(NC, NS, nch, CK)

    x_pad = jnp.concatenate([x, jnp.zeros((NP - N, D), x.dtype)])
    batch_pad = jnp.concatenate(
        [batch.astype(jnp.int32), jnp.full((NP - N,), G, jnp.int32)]
    ).reshape(NRB, 1, RB)
    zerosD = jnp.zeros((ZR, D), jnp.float32)

    degp = _make_deg(nch)(dsts).reshape(NC, NS, NP)

    hs1 = pl.pallas_call(
        _tc1_body,
        grid=(NRB,),
        in_specs=[
            pl.BlockSpec((RB, D), lambda i: (i, 0)),
            pl.BlockSpec((D, D), lambda i: (0, 0)),
            pl.BlockSpec((NC, NS, RB), lambda i: (0, 0, i)),
        ],
        out_specs=pl.BlockSpec((RB, D), lambda i: (i, 0)),
        out_shape=jax.ShapeDtypeStruct((NP, D), jnp.float32),
    )(x_pad, W1, degp)

    agg_fn = _make_agg(nch)
    agg1 = agg_fn(hs1, srcs, dsts, zerosD)

    hs2 = pl.pallas_call(
        _tc2_body,
        grid=(NRB,),
        in_specs=[
            pl.BlockSpec((NC, RB, D), lambda i: (0, i, 0)),
            pl.BlockSpec((NC, NS, RB), lambda i: (0, 0, i)),
            pl.BlockSpec((1, D), lambda i: (0, 0)),
            pl.BlockSpec((D, D), lambda i: (0, 0)),
        ],
        out_specs=pl.BlockSpec((RB, D), lambda i: (i, 0)),
        out_shape=jax.ShapeDtypeStruct((NP, D), jnp.float32),
    )(agg1, degp, b1.reshape(1, D), W2)

    agg2 = agg_fn(hs2, srcs, dsts, zerosD)

    out = pl.pallas_call(
        _tc3_body,
        grid=(NRB,),
        in_specs=[
            pl.BlockSpec((NC, RB, D), lambda i: (0, i, 0)),
            pl.BlockSpec((NC, NS, RB), lambda i: (0, 0, i)),
            pl.BlockSpec((1, D), lambda i: (0, 0)),
            pl.BlockSpec((1, 1, RB), lambda i: (i, 0, 0)),
        ],
        out_specs=pl.BlockSpec((G, D), lambda i: (0, 0)),
        out_shape=jax.ShapeDtypeStruct((G, D), jnp.float32),
        scratch_shapes=[
            pltpu.VMEM((G, D), jnp.float32),
            pltpu.VMEM((G, D), jnp.float32),
        ],
    )(agg2, degp, b2.reshape(1, D), batch_pad)

    return out

# --- scband reference (transcript-rebuilt; emitter-appended) ---
"""Pipeline reference for scband-gene-expression-gnn-82944408420780 (READ-ONLY COPY).

The authoritative reference and input builder live on the scoring server;
editing this copy changes nothing except your own understanding.
"""

import jax, jax.numpy as jnp
import numpy as np

N_NODES = 10000
N_EDGES = 320000
D_IN = 128
D_HID = 128
D_OUT = 128
N_GRAPHS = 64


def setup_inputs(seed: int = 0) -> dict:
    key = jax.random.key(seed)
    k_x, k_ei, k_b, k_w1, k_b1, k_w2, k_b2 = jax.random.split(key, 7)
    x = jax.random.normal(k_x, (N_NODES, D_IN), dtype=jnp.float32)
    edge_index = jax.random.randint(k_ei, (2, N_EDGES), 0, N_NODES, dtype=jnp.int64)
    batch = jnp.sort(jax.random.randint(k_b, (N_NODES,), 0, N_GRAPHS, dtype=jnp.int64))
    # GCNConv parameters (glorot-style init, faithful sizes)
    W1 = jax.random.normal(k_w1, (D_IN, D_HID), dtype=jnp.float32) * (1.0 / np.sqrt(D_IN))
    b1 = jnp.zeros((D_HID,), dtype=jnp.float32)
    W2 = jax.random.normal(k_w2, (D_HID, D_OUT), dtype=jnp.float32) * (1.0 / np.sqrt(D_HID))
    b2 = jnp.zeros((D_OUT,), dtype=jnp.float32)
    return {"x": x, "edge_index": edge_index, "batch": batch,
            "W1": W1, "b1": b1, "W2": W2, "b2": b2}


def _gcn_conv(x, src, dst, W, b, n_nodes):
    # x' = W x, then symmetric-normalized scatter-add aggregation (with self-loops)
    h = x @ W
    deg = jnp.zeros((n_nodes,), dtype=h.dtype).at[dst].add(1.0)
    deg_inv_sqrt = jnp.where(deg > 0, jax.lax.rsqrt(jnp.maximum(deg, 1.0)), 0.0)
    norm = deg_inv_sqrt[src] * deg_inv_sqrt[dst]
    msgs = norm[:, None] * jnp.take(h, src, axis=0)
    out = jnp.zeros_like(h).at[dst].add(msgs)
    return out + b


def reference(x, edge_index, batch, W1, b1, W2, b2):
    n_nodes = x.shape[0]
    loop = jnp.arange(n_nodes, dtype=edge_index.dtype)
    src = jnp.concatenate([edge_index[0], loop])
    dst = jnp.concatenate([edge_index[1], loop])
    h = _gcn_conv(x, src, dst, W1, b1, n_nodes)
    h = jax.nn.relu(h)
    h = _gcn_conv(h, src, dst, W2, b2, n_nodes)
    h = jax.nn.relu(h)
    # global_mean_pool over batch assignment
    sums = jax.ops.segment_sum(h, batch, num_segments=N_GRAPHS)
    counts = jax.ops.segment_sum(jnp.ones((n_nodes,), dtype=h.dtype), batch, num_segments=N_GRAPHS)
    out = sums / jnp.maximum(counts, 1.0)[:, None]
    return out

if __name__ == "__main__":
    import jax
    _d = setup_inputs()
    print(jax.jit(kernel)(*tuple(_d.values())))

</pallas_src>

<mosaic_0001>
#map = affine_map<(d0, d1) -> (0, 0)>
#map1 = affine_map<(d0, d1) -> (0, 0, 0, 0)>
#map2 = affine_map<(d0, d1) -> (0, 0, 0)>
module attributes {stable_mosaic.version = 14 : i64} {
  func.func @body(%arg0: i32, %arg1: i32, %arg2: memref<10240x128xf32, #tpu.memory_space<hbm>>, %arg3: memref<2x16x79x128xi32, #tpu.memory_space<hbm>>, %arg4: memref<2x16x79x128xi32, #tpu.memory_space<hbm>>, %arg5: memref<640x128xf32, #tpu.memory_space<hbm>>, %arg6: memref<2x10240x128xf32, #tpu.memory_space<hbm>>, %arg7: memref<2x128xi32, #tpu.memory_space<vmem>>, %arg8: memref<79x128xi32, #tpu.memory_space<vmem>>, %arg9: memref<2x128x128xf32, #tpu.memory_space<vmem>>, %arg10: memref<10240x128xf32, #tpu.memory_space<vmem_shared>>, %arg11: memref<!tpu.dma_semaphore, #tpu.memory_space<semaphore_mem>>, %arg12: memref<!tpu.dma_semaphore, #tpu.memory_space<semaphore_mem>>, %arg13: memref<!tpu.dma_semaphore, #tpu.memory_space<semaphore_mem>>, %arg14: memref<!tpu.dma_semaphore, #tpu.memory_space<semaphore_mem>>, %arg15: memref<!tpu.dma_semaphore, #tpu.memory_space<semaphore_mem>>, %arg16: memref<!tpu.dma_semaphore, #tpu.memory_space<semaphore_mem>>) attributes {dimension_semantics = [#tpu.dimension_semantics<core_parallel>, #tpu.dimension_semantics<subcore_parallel>], iteration_bounds = array<i64: 2, 16>, scalar_prefetch = 0 : i64, scratch_operands = 10 : i64, tpu.core_type = #tpu.core_type<sc_vector_subcore>, window_params = [{transform_indices = #map}, {transform_indices = #map1}, {transform_indices = #map1}, {transform_indices = #map}, {transform_indices = #map2}]} {
    %eq3A = arith.constant 0 : i32
    %eq3A_0 = arith.cmpi eq, %arg0, %eq3A : i32
    %convert_element_type3A = arith.extui %eq3A_0 : i1 to i32
    %cond3A = arith.constant 0 : i32
    %cond3A_1 = arith.cmpi ne, %convert_element_type3A, %cond3A : i32
    scf.if %cond3A_1 {
      %mul3A_65 = arith.constant 640 : i32
      %mul3A_66 = arith.muli %arg1, %mul3A_65 : i32
      %mul3A_67 = arith.constant 640 : i32
      %mul3A_68 = arith.muli %arg1, %mul3A_67 : i32
      "tpu.region"() ({
        %run_scoped3A_69 = tpu.sem_alloc : memref<!tpu.dma_semaphore, #tpu.memory_space<semaphore_mem>>
        %dma_start3A_70 = arith.constant 0 : i32
        %dma_start3A_71 = tpu.memref_slice %arg10[%mul3A_68, %dma_start3A_70] : memref<10240x128xf32, #tpu.memory_space<vmem_shared>> -> memref<640x128xf32, #tpu.memory_space<vmem_shared>>
        %dma_start3A_72 = arith.constant 0 : i32
        %dma_start3A_73 = tpu.memref_slice %arg2[%mul3A_66, %dma_start3A_72] : memref<10240x128xf32, #tpu.memory_space<hbm>> -> memref<640x128xf32, #tpu.memory_space<hbm>>
        tpu.enqueue_dma source(%dma_start3A_73 : memref<640x128xf32, #tpu.memory_space<hbm>>) target(%dma_start3A_71 : memref<640x128xf32, #tpu.memory_space<vmem_shared>>) target_semaphore(%run_scoped3A_69 : memref<!tpu.dma_semaphore, #tpu.memory_space<semaphore_mem>>)
        %dma_wait3A_74 = arith.constant 0 : i32
        %dma_wait3A_75 = tpu.memref_slice %arg10[%mul3A_68, %dma_wait3A_74] : memref<10240x128xf32, #tpu.memory_space<vmem_shared>> -> memref<640x128xf32, #tpu.memory_space<vmem_shared>>
        %dma_wait3A_76 = arith.constant 0 : i32
        %dma_wait3A_77 = tpu.memref_slice %arg2[%mul3A_66, %dma_wait3A_76] : memref<10240x128xf32, #tpu.memory_space<hbm>> -> memref<640x128xf32, #tpu.memory_space<hbm>>
        tpu.wait_dma2 semaphore(%run_scoped3A_69 : memref<!tpu.dma_semaphore, #tpu.memory_space<semaphore_mem>>) src(%dma_wait3A_77 : memref<640x128xf32, #tpu.memory_space<hbm>>) dst(%dma_wait3A_75 : memref<640x128xf32, #tpu.memory_space<vmem_shared>>)
        tpu.yield
      }) : () -> ()
    } else {
    }
    %eq3A_2 = arith.constant 1 : i32
    %eq3A_3 = arith.cmpi eq, %arg0, %eq3A_2 : i32
    %convert_element_type3A_4 = arith.extui %eq3A_3 : i1 to i32
    %cond3A_5 = arith.constant 0 : i32
    %cond3A_6 = arith.cmpi ne, %convert_element_type3A_4, %cond3A_5 : i32
    scf.if %cond3A_6 {
      %mul3A_65 = arith.constant 640 : i32
      %mul3A_66 = arith.muli %arg1, %mul3A_65 : i32
      "tpu.region"() ({
        %run_scoped3A_67 = tpu.sem_alloc : memref<!tpu.dma_semaphore, #tpu.memory_space<semaphore_mem>>
        %dma_start3A_68 = arith.constant 0 : i32
        %dma_start3A_69 = tpu.memref_slice %arg10[%mul3A_66, %dma_start3A_68] : memref<10240x128xf32, #tpu.memory_space<vmem_shared>> -> memref<640x128xf32, #tpu.memory_space<vmem_shared>>
        tpu.enqueue_dma source(%arg5 : memref<640x128xf32, #tpu.memory_space<hbm>>) target(%dma_start3A_69 : memref<640x128xf32, #tpu.memory_space<vmem_shared>>) target_semaphore(%run_scoped3A_67 : memref<!tpu.dma_semaphore, #tpu.memory_space<semaphore_mem>>)
        %dma_wait3A_70 = arith.constant 0 : i32
        %dma_wait3A_71 = tpu.memref_slice %arg10[%mul3A_66, %dma_wait3A_70] : memref<10240x128xf32, #tpu.memory_space<vmem_shared>> -> memref<640x128xf32, #tpu.memory_space<vmem_shared>>
        tpu.wait_dma2 semaphore(%run_scoped3A_67 : memref<!tpu.dma_semaphore, #tpu.memory_space<semaphore_mem>>) src(%arg5 : memref<640x128xf32, #tpu.memory_space<hbm>>) dst(%dma_wait3A_71 : memref<640x128xf32, #tpu.memory_space<vmem_shared>>)
        tpu.yield
      }) : () -> ()
    } else {
    }
    "tpu.region"() ({
      %run_scoped3A_65 = tpu.sem_alloc : memref<!tpu.dma_semaphore, #tpu.memory_space<semaphore_mem>>
      %dma_start3A_66 = arith.constant 0 : i32
      %dma_start3A_67 = arith.constant 0 : i32
      %dma_start3A_68 = tpu.memref_slice %arg4[%arg0, %arg1, %dma_start3A_66, %dma_start3A_67] : memref<2x16x79x128xi32, #tpu.memory_space<hbm>> -> memref<1x1x79x128xi32, #tpu.memory_space<hbm>>
      %dma_start3A_69 = tpu.memref_squeeze %dma_start3A_68 : memref<1x1x79x128xi32, #tpu.memory_space<hbm>> -> memref<79x128xi32, #tpu.memory_space<hbm>>
      %dma_start3A_70 = arith.constant 0 : i32
      %dma_start3A_71 = arith.constant 0 : i32
      %dma_start3A_72 = tpu.memref_slice %arg4[%arg0, %arg1, %dma_start3A_70, %dma_start3A_71] : memref<2x16x79x128xi32, #tpu.memory_space<hbm>> -> memref<1x1x79x128xi32, #tpu.memory_space<hbm>>
      %dma_start3A_73 = tpu.memref_squeeze %dma_start3A_72 : memref<1x1x79x128xi32, #tpu.memory_space<hbm>> -> memref<79x128xi32, #tpu.memory_space<hbm>>
      tpu.enqueue_dma source(%dma_start3A_73 : memref<79x128xi32, #tpu.memory_space<hbm>>) target(%arg8 : memref<79x128xi32, #tpu.memory_space<vmem>>) target_semaphore(%run_scoped3A_65 : memref<!tpu.dma_semaphore, #tpu.memory_space<semaphore_mem>>)
      %dma_wait3A_74 = arith.constant 0 : i32
      %dma_wait3A_75 = arith.constant 0 : i32
      %dma_wait3A_76 = tpu.memref_slice %arg4[%arg0, %arg1, %dma_wait3A_74, %dma_wait3A_75] : memref<2x16x79x128xi32, #tpu.memory_space<hbm>> -> memref<1x1x79x128xi32, #tpu.memory_space<hbm>>
      %dma_wait3A_77 = tpu.memref_squeeze %dma_wait3A_76 : memref<1x1x79x128xi32, #tpu.memory_space<hbm>> -> memref<79x128xi32, #tpu.memory_space<hbm>>
      %dma_wait3A_78 = arith.constant 0 : i32
      %dma_wait3A_79 = arith.constant 0 : i32
      %dma_wait3A_80 = tpu.memref_slice %arg4[%arg0, %arg1, %dma_wait3A_78, %dma_wait3A_79] : memref<2x16x79x128xi32, #tpu.memory_space<hbm>> -> memref<1x1x79x128xi32, #tpu.memory_space<hbm>>
      %dma_wait3A_81 = tpu.memref_squeeze %dma_wait3A_80 : memref<1x1x79x128xi32, #tpu.memory_space<hbm>> -> memref<79x128xi32, #tpu.memory_space<hbm>>
      tpu.wait_dma2 semaphore(%run_scoped3A_65 : memref<!tpu.dma_semaphore, #tpu.memory_space<semaphore_mem>>) src(%dma_wait3A_81 : memref<79x128xi32, #tpu.memory_space<hbm>>) dst(%arg8 : memref<79x128xi32, #tpu.memory_space<vmem>>)
      tpu.yield
    }) : () -> ()
    %barrier3A = arith.constant 0 : index
    tpu.barrier barrier_id(%barrier3A)
    %run_scoped3A = arith.constant 0 : i32
    %run_scoped3A_7 = arith.constant 0 : i32
    "tpu.region"() ({
      %run_scoped3A_65 = tpu.sem_alloc : memref<!tpu.dma_semaphore, #tpu.memory_space<semaphore_mem>>
      %dma_start3A_66 = arith.constant 0 : i32
      %dma_start3A_67 = tpu.memref_slice %arg7[%run_scoped3A_7, %dma_start3A_66] : memref<2x128xi32, #tpu.memory_space<vmem>> -> memref<1x128xi32, #tpu.memory_space<vmem>>
      %dma_start3A_68 = tpu.memref_squeeze %dma_start3A_67 : memref<1x128xi32, #tpu.memory_space<vmem>> -> memref<128xi32, #tpu.memory_space<vmem>>
      %dma_start3A_69 = arith.constant 0 : i32
      %dma_start3A_70 = tpu.memref_slice %arg3[%arg0, %arg1, %run_scoped3A, %dma_start3A_69] : memref<2x16x79x128xi32, #tpu.memory_space<hbm>> -> memref<1x1x1x128xi32, #tpu.memory_space<hbm>>
      %dma_start3A_71 = tpu.memref_squeeze %dma_start3A_70 : memref<1x1x1x128xi32, #tpu.memory_space<hbm>> -> memref<128xi32, #tpu.memory_space<hbm>>
      %dma_start3A_72 = arith.constant 0 : i32
      %dma_start3A_73 = tpu.memref_slice %arg7[%run_scoped3A_7, %dma_start3A_72] : memref<2x128xi32, #tpu.memory_space<vmem>> -> memref<1x128xi32, #tpu.memory_space<vmem>>
      %dma_start3A_74 = tpu.memref_squeeze %dma_start3A_73 : memref<1x128xi32, #tpu.memory_space<vmem>> -> memref<128xi32, #tpu.memory_space<vmem>>
      %dma_start3A_75 = arith.constant 0 : i32
      %dma_start3A_76 = tpu.memref_slice %arg3[%arg0, %arg1, %run_scoped3A, %dma_start3A_75] : memref<2x16x79x128xi32, #tpu.memory_space<hbm>> -> memref<1x1x1x128xi32, #tpu.memory_space<hbm>>
      %dma_start3A_77 = tpu.memref_squeeze %dma_start3A_76 : memref<1x1x1x128xi32, #tpu.memory_space<hbm>> -> memref<128xi32, #tpu.memory_space<hbm>>
      tpu.enqueue_dma source(%dma_start3A_77 : memref<128xi32, #tpu.memory_space<hbm>>) target(%dma_start3A_74 : memref<128xi32, #tpu.memory_space<vmem>>) target_semaphore(%run_scoped3A_65 : memref<!tpu.dma_semaphore, #tpu.memory_space<semaphore_mem>>)
      %dma_wait3A_78 = arith.constant 0 : i32
      %dma_wait3A_79 = tpu.memref_slice %arg7[%run_scoped3A_7, %dma_wait3A_78] : memref<2x128xi32, #tpu.memory_space<vmem>> -> memref<1x128xi32, #tpu.memory_space<vmem>>
      %dma_wait3A_80 = tpu.memref_squeeze %dma_wait3A_79 : memref<1x128xi32, #tpu.memory_space<vmem>> -> memref<128xi32, #tpu.memory_space<vmem>>
      %dma_wait3A_81 = arith.constant 0 : i32
      %dma_wait3A_82 = tpu.memref_slice %arg3[%arg0, %arg1, %run_scoped3A, %dma_wait3A_81] : memref<2x16x79x128xi32, #tpu.memory_space<hbm>> -> memref<1x1x1x128xi32, #tpu.memory_space<hbm>>
      %dma_wait3A_83 = tpu.memref_squeeze %dma_wait3A_82 : memref<1x1x1x128xi32, #tpu.memory_space<hbm>> -> memref<128xi32, #tpu.memory_space<hbm>>
      %dma_wait3A_84 = arith.constant 0 : i32
      %dma_wait3A_85 = tpu.memref_slice %arg7[%run_scoped3A_7, %dma_wait3A_84] : memref<2x128xi32, #tpu.memory_space<vmem>> -> memref<1x128xi32, #tpu.memory_space<vmem>>
      %dma_wait3A_86 = tpu.memref_squeeze %dma_wait3A_85 : memref<1x128xi32, #tpu.memory_space<vmem>> -> memref<128xi32, #tpu.memory_space<vmem>>
      %dma_wait3A_87 = arith.constant 0 : i32
      %dma_wait3A_88 = tpu.memref_slice %arg3[%arg0, %arg1, %run_scoped3A, %dma_wait3A_87] : memref<2x16x79x128xi32, #tpu.memory_space<hbm>> -> memref<1x1x1x128xi32, #tpu.memory_space<hbm>>
      %dma_wait3A_89 = tpu.memref_squeeze %dma_wait3A_88 : memref<1x1x1x128xi32, #tpu.memory_space<hbm>> -> memref<128xi32, #tpu.memory_space<hbm>>
      tpu.wait_dma2 semaphore(%run_scoped3A_65 : memref<!tpu.dma_semaphore, #tpu.memory_space<semaphore_mem>>) src(%dma_wait3A_89 : memref<128xi32, #tpu.memory_space<hbm>>) dst(%dma_wait3A_86 : memref<128xi32, #tpu.memory_space<vmem>>)
      tpu.yield
    }) : () -> ()
    %dma_start3A = arith.constant 1 : i32
    %dma_start3A_8 = arith.constant 1 : i32
    %dma_start3A_9 = arith.constant 0 : i32
    %dma_start3A_10 = tpu.memref_slice %arg7[%dma_start3A_8, %dma_start3A_9] : memref<2x128xi32, #tpu.memory_space<vmem>> -> memref<1x128xi32, #tpu.memory_space<vmem>>
    %dma_start3A_11 = tpu.memref_squeeze %dma_start3A_10 : memref<1x128xi32, #tpu.memory_space<vmem>> -> memref<128xi32, #tpu.memory_space<vmem>>
    %dma_start3A_12 = arith.constant 0 : i32
    %dma_start3A_13 = tpu.memref_slice %arg3[%arg0, %arg1, %dma_start3A, %dma_start3A_12] : memref<2x16x79x128xi32, #tpu.memory_space<hbm>> -> memref<1x1x1x128xi32, #tpu.memory_space<hbm>>
    %dma_start3A_14 = tpu.memref_squeeze %dma_start3A_13 : memref<1x1x1x128xi32, #tpu.memory_space<hbm>> -> memref<128xi32, #tpu.memory_space<hbm>>
    %dma_start3A_15 = arith.constant 0 : i32
    %dma_start3A_16 = tpu.memref_slice %arg7[%dma_start3A_8, %dma_start3A_15] : memref<2x128xi32, #tpu.memory_space<vmem>> -> memref<1x128xi32, #tpu.memory_space<vmem>>
    %dma_start3A_17 = tpu.memref_squeeze %dma_start3A_16 : memref<1x128xi32, #tpu.memory_space<vmem>> -> memref<128xi32, #tpu.memory_space<vmem>>
    %dma_start3A_18 = arith.constant 0 : i32
    %dma_start3A_19 = tpu.memref_slice %arg3[%arg0, %arg1, %dma_start3A, %dma_start3A_18] : memref<2x16x79x128xi32, #tpu.memory_space<hbm>> -> memref<1x1x1x128xi32, #tpu.memory_space<hbm>>
    %dma_start3A_20 = tpu.memref_squeeze %dma_start3A_19 : memref<1x1x1x128xi32, #tpu.memory_space<hbm>> -> memref<128xi32, #tpu.memory_space<hbm>>
    tpu.enqueue_dma source(%dma_start3A_20 : memref<128xi32, #tpu.memory_space<hbm>>) target(%dma_start3A_17 : memref<128xi32, #tpu.memory_space<vmem>>) target_semaphore(%arg12 : memref<!tpu.dma_semaphore, #tpu.memory_space<semaphore_mem>>)
    %dma_start3A_21 = arith.constant 0 : i32
    %dma_start3A_22 = arith.constant 0 : i32
    %dma_start3A_23 = arith.constant 0 : i32
    %dma_start3A_24 = arith.constant 0 : i32
    %dma_start3A_25 = tpu.memref_slice %arg9[%dma_start3A_22, %dma_start3A_23, %dma_start3A_24] : memref<2x128x128xf32, #tpu.memory_space<vmem>> -> memref<1x128x128xf32, #tpu.memory_space<vmem>>
    %dma_start3A_26 = tpu.memref_squeeze %dma_start3A_25 : memref<1x128x128xf32, #tpu.memory_space<vmem>> -> memref<128x128xf32, #tpu.memory_space<vmem>>
    %dma_start3A_27 = arith.constant 0 : i32
    %dma_start3A_28 = tpu.memref_slice %arg7[%dma_start3A_21, %dma_start3A_27] : memref<2x128xi32, #tpu.memory_space<vmem>> -> memref<1x128xi32, #tpu.memory_space<vmem>>
    %dma_start3A_29 = tpu.memref_squeeze %dma_start3A_28 : memref<1x128xi32, #tpu.memory_space<vmem>> -> memref<128xi32, #tpu.memory_space<vmem>>
    %dma_start3A_30 = arith.constant 0 : i32
    %dma_start3A_31 = arith.constant 0 : i32
    %dma_start3A_32 = tpu.memref_slice %arg2[%dma_start3A_30, %dma_start3A_31] : memref<10240x128xf32, #tpu.memory_space<hbm>> -> memref<10240x128xf32, #tpu.memory_space<hbm>>
    tpu.enqueue_indirect_dma source(%dma_start3A_32 : memref<10240x128xf32, #tpu.memory_space<hbm>>) target(%dma_start3A_26 : memref<128x128xf32, #tpu.memory_space<vmem>>) offsets(%dma_start3A_29 : memref<128xi32, #tpu.memory_space<vmem>>) semaphore(%arg13 : memref<!tpu.dma_semaphore, #tpu.memory_space<semaphore_mem>>)
    %scan3A = arith.constant 0 : i32
    %scan3A_33 = arith.constant 0 : i32
    %scan3A_34 = arith.constant 40 : i32
    %scan3A_35 = arith.addi %scan3A_33, %scan3A_34 : i32
    %scan3A_36 = arith.constant 1 : i32
    scf.for %scan3A_65 = %scan3A_33 to %scan3A_35 step %scan3A_36  : i32 {
      %mul3A_66 = arith.constant 2 : i32
      %mul3A_67 = arith.muli %scan3A_65, %mul3A_66 : i32
      %add3A = arith.constant 0 : i32
      %add3A_68 = arith.addi %mul3A_67, %add3A : i32
      %lt3A = arith.constant 79 : i32
      %lt3A_69 = arith.cmpi slt, %add3A_68, %lt3A : i32
      %convert_element_type3A_70 = arith.extui %lt3A_69 : i1 to i32
      %cond3A_71 = arith.constant 0 : i32
      %cond3A_72 = arith.cmpi ne, %convert_element_type3A_70, %cond3A_71 : i32
      scf.if %cond3A_72 {
        %add3A_82 = arith.constant 1 : i32
        %add3A_83 = arith.addi %add3A_68, %add3A_82 : i32
        %lt3A_84 = arith.constant 79 : i32
        %lt3A_85 = arith.cmpi slt, %add3A_83, %lt3A_84 : i32
        %convert_element_type3A_86 = arith.extui %lt3A_85 : i1 to i32
        %cond3A_87 = arith.constant 0 : i32
        %cond3A_88 = arith.cmpi ne, %convert_element_type3A_86, %cond3A_87 : i32
        scf.if %cond3A_88 {
          %ge3A = arith.constant 1 : i32
          %ge3A_119 = arith.cmpi sge, %add3A_68, %ge3A : i32
          %convert_element_type3A_120 = arith.extui %ge3A_119 : i1 to i32
          %cond3A_121 = arith.constant 0 : i32
          %cond3A_122 = arith.cmpi ne, %convert_element_type3A_120, %cond3A_121 : i32
          scf.if %cond3A_122 {
            %sub3A = arith.constant 1 : i32
            %sub3A_150 = arith.subi %add3A_68, %sub3A : i32
            %dma_wait3A_151 = arith.constant 1 : i32
            %dma_wait3A_152 = arith.constant 0 : i32
            %dma_wait3A_153 = arith.constant 0 : i32
            %dma_wait3A_154 = tpu.memref_slice %arg9[%dma_wait3A_151, %dma_wait3A_152, %dma_wait3A_153] : memref<2x128x128xf32, #tpu.memory_space<vmem>> -> memref<1x128x128xf32, #tpu.memory_space<vmem>>
            %dma_wait3A_155 = tpu.memref_squeeze %dma_wait3A_154 : memref<1x128x128xf32, #tpu.memory_space<vmem>> -> memref<128x128xf32, #tpu.memory_space<vmem>>
            %dma_wait3A_156 = arith.constant 0 : i32
            %dma_wait3A_157 = tpu.memref_slice %arg8[%sub3A_150, %dma_wait3A_156] : memref<79x128xi32, #tpu.memory_space<vmem>> -> memref<1x128xi32, #tpu.memory_space<vmem>>
            %dma_wait3A_158 = tpu.memref_squeeze %dma_wait3A_157 : memref<1x128xi32, #tpu.memory_space<vmem>> -> memref<128xi32, #tpu.memory_space<vmem>>
            %dma_wait3A_159 = arith.constant 0 : i32
            %dma_wait3A_160 = arith.constant 0 : i32
            %dma_wait3A_161 = tpu.memref_slice %arg10[%dma_wait3A_159, %dma_wait3A_160] : memref<10240x128xf32, #tpu.memory_space<vmem_shared>> -> memref<10240x128xf32, #tpu.memory_space<vmem_shared>>
            tpu.wait_indirect_dma semaphore(%arg16 : memref<!tpu.dma_semaphore, #tpu.memory_space<semaphore_mem>>) src(%dma_wait3A_155 : memref<128x128xf32, #tpu.memory_space<vmem>>) dst(%dma_wait3A_161 : memref<10240x128xf32, #tpu.memory_space<vmem_shared>>)
          } else {
          }
          %add3A_123 = arith.constant 1 : i32
          %add3A_124 = arith.addi %add3A_68, %add3A_123 : i32
          %dma_wait3A_125 = arith.constant 1 : i32
          %dma_wait3A_126 = arith.constant 0 : i32
          %dma_wait3A_127 = tpu.memref_slice %arg7[%dma_wait3A_125, %dma_wait3A_126] : memref<2x128xi32, #tpu.memory_space<vmem>> -> memref<1x128xi32, #tpu.memory_space<vmem>>
          %dma_wait3A_128 = tpu.memref_squeeze %dma_wait3A_127 : memref<1x128xi32, #tpu.memory_space<vmem>> -> memref<128xi32, #tpu.memory_space<vmem>>
          %dma_wait3A_129 = arith.constant 0 : i32
          %dma_wait3A_130 = tpu.memref_slice %arg3[%arg0, %arg1, %add3A_124, %dma_wait3A_129] : memref<2x16x79x128xi32, #tpu.memory_space<hbm>> -> memref<1x1x1x128xi32, #tpu.memory_space<hbm>>
          %dma_wait3A_131 = tpu.memref_squeeze %dma_wait3A_130 : memref<1x1x1x128xi32, #tpu.memory_space<hbm>> -> memref<128xi32, #tpu.memory_space<hbm>>
          %dma_wait3A_132 = arith.constant 0 : i32
          %dma_wait3A_133 = tpu.memref_slice %arg7[%dma_wait3A_125, %dma_wait3A_132] : memref<2x128xi32, #tpu.memory_space<vmem>> -> memref<1x128xi32, #tpu.memory_space<vmem>>
          %dma_wait3A_134 = tpu.memref_squeeze %dma_wait3A_133 : memref<1x128xi32, #tpu.memory_space<vmem>> -> memref<128xi32, #tpu.memory_space<vmem>>
          %dma_wait3A_135 = arith.constant 0 : i32
          %dma_wait3A_136 = tpu.memref_slice %arg3[%arg0, %arg1, %add3A_124, %dma_wait3A_135] : memref<2x16x79x128xi32, #tpu.memory_space<hbm>> -> memref<1x1x1x128xi32, #tpu.memory_space<hbm>>
          %dma_wait3A_137 = tpu.memref_squeeze %dma_wait3A_136 : memref<1x1x1x128xi32, #tpu.memory_space<hbm>> -> memref<128xi32, #tpu.memory_space<hbm>>
          tpu.wait_dma2 semaphore(%arg12 : memref<!tpu.dma_semaphore, #tpu.memory_space<semaphore_mem>>) src(%dma_wait3A_137 : memref<128xi32, #tpu.memory_space<hbm>>) dst(%dma_wait3A_134 : memref<128xi32, #tpu.memory_space<vmem>>)
          %dma_start3A_138 = arith.constant 1 : i32
          %dma_start3A_139 = arith.constant 1 : i32
          %dma_start3A_140 = arith.constant 0 : i32
          %dma_start3A_141 = arith.constant 0 : i32
          %dma_start3A_142 = tpu.memref_slice %arg9[%dma_start3A_139, %dma_start3A_140, %dma_start3A_141] : memref<2x128x128xf32, #tpu.memory_space<vmem>> -> memref<1x128x128xf32, #tpu.memory_space<vmem>>
          %dma_start3A_143 = tpu.memref_squeeze %dma_start3A_142 : memref<1x128x128xf32, #tpu.memory_space<vmem>> -> memref<128x128xf32, #tpu.memory_space<vmem>>
          %dma_start3A_144 = arith.constant 0 : i32
          %dma_start3A_145 = tpu.memref_slice %arg7[%dma_start3A_138, %dma_start3A_144] : memref<2x128xi32, #tpu.memory_space<vmem>> -> memref<1x128xi32, #tpu.memory_space<vmem>>
          %dma_start3A_146 = tpu.memref_squeeze %dma_start3A_145 : memref<1x128xi32, #tpu.memory_space<vmem>> -> memref<128xi32, #tpu.memory_space<vmem>>
          %dma_start3A_147 = arith.constant 0 : i32
          %dma_start3A_148 = arith.constant 0 : i32
          %dma_start3A_149 = tpu.memref_slice %arg2[%dma_start3A_147, %dma_start3A_148] : memref<10240x128xf32, #tpu.memory_space<hbm>> -> memref<10240x128xf32, #tpu.memory_space<hbm>>
          tpu.enqueue_indirect_dma source(%dma_start3A_149 : memref<10240x128xf32, #tpu.memory_space<hbm>>) target(%dma_start3A_143 : memref<128x128xf32, #tpu.memory_space<vmem>>) offsets(%dma_start3A_146 : memref<128xi32, #tpu.memory_space<vmem>>) semaphore(%arg14 : memref<!tpu.dma_semaphore, #tpu.memory_space<semaphore_mem>>)
        } else {
        }
        %dma_wait3A_89 = arith.constant 0 : i32
        %dma_wait3A_90 = arith.constant 0 : i32
        %dma_wait3A_91 = arith.constant 0 : i32
        %dma_wait3A_92 = arith.constant 0 : i32
        %dma_wait3A_93 = tpu.memref_slice %arg9[%dma_wait3A_90, %dma_wait3A_91, %dma_wait3A_92] : memref<2x128x128xf32, #tpu.memory_space<vmem>> -> memref<1x128x128xf32, #tpu.memory_space<vmem>>
        %dma_wait3A_94 = tpu.memref_squeeze %dma_wait3A_93 : memref<1x128x128xf32, #tpu.memory_space<vmem>> -> memref<128x128xf32, #tpu.memory_space<vmem>>
        %dma_wait3A_95 = arith.constant 0 : i32
        %dma_wait3A_96 = tpu.memref_slice %arg7[%dma_wait3A_89, %dma_wait3A_95] : memref<2x128xi32, #tpu.memory_space<vmem>> -> memref<1x128xi32, #tpu.memory_space<vmem>>
        %dma_wait3A_97 = tpu.memref_squeeze %dma_wait3A_96 : memref<1x128xi32, #tpu.memory_space<vmem>> -> memref<128xi32, #tpu.memory_space<vmem>>
        %dma_wait3A_98 = arith.constant 0 : i32
        %dma_wait3A_99 = arith.constant 0 : i32
        %dma_wait3A_100 = tpu.memref_slice %arg2[%dma_wait3A_98, %dma_wait3A_99] : memref<10240x128xf32, #tpu.memory_space<hbm>> -> memref<10240x128xf32, #tpu.memory_space<hbm>>
        tpu.wait_indirect_dma semaphore(%arg13 : memref<!tpu.dma_semaphore, #tpu.memory_space<semaphore_mem>>) src(%dma_wait3A_100 : memref<10240x128xf32, #tpu.memory_space<hbm>>) dst(%dma_wait3A_94 : memref<128x128xf32, #tpu.memory_space<vmem>>)
        %dma_start3A_101 = arith.constant 0 : i32
        %dma_start3A_102 = arith.constant 0 : i32
        %dma_start3A_103 = arith.constant 0 : i32
        %dma_start3A_104 = tpu.memref_slice %arg9[%dma_start3A_101, %dma_start3A_102, %dma_start3A_103] : memref<2x128x128xf32, #tpu.memory_space<vmem>> -> memref<1x128x128xf32, #tpu.memory_space<vmem>>
        %dma_start3A_105 = tpu.memref_squeeze %dma_start3A_104 : memref<1x128x128xf32, #tpu.memory_space<vmem>> -> memref<128x128xf32, #tpu.memory_space<vmem>>
        %dma_start3A_106 = arith.constant 0 : i32
        %dma_start3A_107 = tpu.memref_slice %arg8[%add3A_68, %dma_start3A_106] : memref<79x128xi32, #tpu.memory_space<vmem>> -> memref<1x128xi32, #tpu.memory_space<vmem>>
        %dma_start3A_108 = tpu.memref_squeeze %dma_start3A_107 : memref<1x128xi32, #tpu.memory_space<vmem>> -> memref<128xi32, #tpu.memory_space<vmem>>
        %dma_start3A_109 = arith.constant 0 : i32
        %dma_start3A_110 = arith.constant 0 : i32
        %dma_start3A_111 = tpu.memref_slice %arg10[%dma_start3A_109, %dma_start3A_110] : memref<10240x128xf32, #tpu.memory_space<vmem_shared>> -> memref<10240x128xf32, #tpu.memory_space<vmem_shared>>
        tpu.enqueue_indirect_dma source(%dma_start3A_105 : memref<128x128xf32, #tpu.memory_space<vmem>>) target(%dma_start3A_111 : memref<10240x128xf32, #tpu.memory_space<vmem_shared>>) offsets(%dma_start3A_108 : memref<128xi32, #tpu.memory_space<vmem>>) semaphore(%arg15 : memref<!tpu.dma_semaphore, #tpu.memory_space<semaphore_mem>>) {add = true}
        %add3A_112 = arith.constant 2 : i32
        %add3A_113 = arith.addi %add3A_68, %add3A_112 : i32
        %lt3A_114 = arith.constant 79 : i32
        %lt3A_115 = arith.cmpi slt, %add3A_113, %lt3A_114 : i32
        %convert_element_type3A_116 = arith.extui %lt3A_115 : i1 to i32
        %cond3A_117 = arith.constant 0 : i32
        %cond3A_118 = arith.cmpi ne, %convert_element_type3A_116, %cond3A_117 : i32
        scf.if %cond3A_118 {
          %add3A_119 = arith.constant 2 : i32
          %add3A_120 = arith.addi %add3A_68, %add3A_119 : i32
          %dma_start3A_121 = arith.constant 0 : i32
          %dma_start3A_122 = arith.constant 0 : i32
          %dma_start3A_123 = tpu.memref_slice %arg7[%dma_start3A_121, %dma_start3A_122] : memref<2x128xi32, #tpu.memory_space<vmem>> -> memref<1x128xi32, #tpu.memory_space<vmem>>
          %dma_start3A_124 = tpu.memref_squeeze %dma_start3A_123 : memref<1x128xi32, #tpu.memory_space<vmem>> -> memref<128xi32, #tpu.memory_space<vmem>>
          %dma_start3A_125 = arith.constant 0 : i32
          %dma_start3A_126 = tpu.memref_slice %arg3[%arg0, %arg1, %add3A_120, %dma_start3A_125] : memref<2x16x79x128xi32, #tpu.memory_space<hbm>> -> memref<1x1x1x128xi32, #tpu.memory_space<hbm>>
          %dma_start3A_127 = tpu.memref_squeeze %dma_start3A_126 : memref<1x1x1x128xi32, #tpu.memory_space<hbm>> -> memref<128xi32, #tpu.memory_space<hbm>>
          %dma_start3A_128 = arith.constant 0 : i32
          %dma_start3A_129 = tpu.memref_slice %arg7[%dma_start3A_121, %dma_start3A_128] : memref<2x128xi32, #tpu.memory_space<vmem>> -> memref<1x128xi32, #tpu.memory_space<vmem>>
          %dma_start3A_130 = tpu.memref_squeeze %dma_start3A_129 : memref<1x128xi32, #tpu.memory_space<vmem>> -> memref<128xi32, #tpu.memory_space<vmem>>
          %dma_start3A_131 = arith.constant 0 : i32
          %dma_start3A_132 = tpu.memref_slice %arg3[%arg0, %arg1, %add3A_120, %dma_start3A_131] : memref<2x16x79x128xi32, #tpu.memory_space<hbm>> -> memref<1x1x1x128xi32, #tpu.memory_space<hbm>>
          %dma_start3A_133 = tpu.memref_squeeze %dma_start3A_132 : memref<1x1x1x128xi32, #tpu.memory_space<hbm>> -> memref<128xi32, #tpu.memory_space<hbm>>
          tpu.enqueue_dma source(%dma_start3A_133 : memref<128xi32, #tpu.memory_space<hbm>>) target(%dma_start3A_130 : memref<128xi32, #tpu.memory_space<vmem>>) target_semaphore(%arg11 : memref<!tpu.dma_semaphore, #tpu.memory_space<semaphore_mem>>)
        } else {
        }
      } else {
      }
      %mul3A_73 = arith.constant 2 : i32
      %mul3A_74 = arith.muli %scan3A_65, %mul3A_73 : i32
      %add3A_75 = arith.constant 1 : i32
      %add3A_76 = arith.addi %mul3A_74, %add3A_75 : i32
      %lt3A_77 = arith.constant 79 : i32
      %lt3A_78 = arith.cmpi slt, %add3A_76, %lt3A_77 : i32
      %convert_element_type3A_79 = arith.extui %lt3A_78 : i1 to i32
      %cond3A_80 = arith.constant 0 : i32
      %cond3A_81 = arith.cmpi ne, %convert_element_type3A_79, %cond3A_80 : i32
      scf.if %cond3A_81 {
        %add3A_82 = arith.constant 1 : i32
        %add3A_83 = arith.addi %add3A_76, %add3A_82 : i32
        %lt3A_84 = arith.constant 79 : i32
        %lt3A_85 = arith.cmpi slt, %add3A_83, %lt3A_84 : i32
        %convert_element_type3A_86 = arith.extui %lt3A_85 : i1 to i32
        %cond3A_87 = arith.constant 0 : i32
        %cond3A_88 = arith.cmpi ne, %convert_element_type3A_86, %cond3A_87 : i32
        scf.if %cond3A_88 {
          %ge3A = arith.constant 1 : i32
          %ge3A_119 = arith.cmpi sge, %add3A_76, %ge3A : i32
          %convert_element_type3A_120 = arith.extui %ge3A_119 : i1 to i32
          %cond3A_121 = arith.constant 0 : i32
          %cond3A_122 = arith.cmpi ne, %convert_element_type3A_120, %cond3A_121 : i32
          scf.if %cond3A_122 {
            %sub3A = arith.constant 1 : i32
            %sub3A_150 = arith.subi %add3A_76, %sub3A : i32
            %dma_wait3A_151 = arith.constant 0 : i32
            %dma_wait3A_152 = arith.constant 0 : i32
            %dma_wait3A_153 = arith.constant 0 : i32
            %dma_wait3A_154 = tpu.memref_slice %arg9[%dma_wait3A_151, %dma_wait3A_152, %dma_wait3A_153] : memref<2x128x128xf32, #tpu.memory_space<vmem>> -> memref<1x128x128xf32, #tpu.memory_space<vmem>>
            %dma_wait3A_155 = tpu.memref_squeeze %dma_wait3A_154 : memref<1x128x128xf32, #tpu.memory_space<vmem>> -> memref<128x128xf32, #tpu.memory_space<vmem>>
            %dma_wait3A_156 = arith.constant 0 : i32
            %dma_wait3A_157 = tpu.memref_slice %arg8[%sub3A_150, %dma_wait3A_156] : memref<79x128xi32, #tpu.memory_space<vmem>> -> memref<1x128xi32, #tpu.memory_space<vmem>>
            %dma_wait3A_158 = tpu.memref_squeeze %dma_wait3A_157 : memref<1x128xi32, #tpu.memory_space<vmem>> -> memref<128xi32, #tpu.memory_space<vmem>>
            %dma_wait3A_159 = arith.constant 0 : i32
            %dma_wait3A_160 = arith.constant 0 : i32
            %dma_wait3A_161 = tpu.memref_slice %arg10[%dma_wait3A_159, %dma_wait3A_160] : memref<10240x128xf32, #tpu.memory_space<vmem_shared>> -> memref<10240x128xf32, #tpu.memory_space<vmem_shared>>
            tpu.wait_indirect_dma semaphore(%arg15 : memref<!tpu.dma_semaphore, #tpu.memory_space<semaphore_mem>>) src(%dma_wait3A_155 : memref<128x128xf32, #tpu.memory_space<vmem>>) dst(%dma_wait3A_161 : memref<10240x128xf32, #tpu.memory_space<vmem_shared>>)
          } else {
          }
          %add3A_123 = arith.constant 1 : i32
          %add3A_124 = arith.addi %add3A_76, %add3A_123 : i32
          %dma_wait3A_125 = arith.constant 0 : i32
          %dma_wait3A_126 = arith.constant 0 : i32
          %dma_wait3A_127 = tpu.memref_slice %arg7[%dma_wait3A_125, %dma_wait3A_126] : memref<2x128xi32, #tpu.memory_space<vmem>> -> memref<1x128xi32, #tpu.memory_space<vmem>>
          %dma_wait3A_128 = tpu.memref_squeeze %dma_wait3A_127 : memref<1x128xi32, #tpu.memory_space<vmem>> -> memref<128xi32, #tpu.memory_space<vmem>>
          %dma_wait3A_129 = arith.constant 0 : i32
          %dma_wait3A_130 = tpu.memref_slice %arg3[%arg0, %arg1, %add3A_124, %dma_wait3A_129] : memref<2x16x79x128xi32, #tpu.memory_space<hbm>> -> memref<1x1x1x128xi32, #tpu.memory_space<hbm>>
          %dma_wait3A_131 = tpu.memref_squeeze %dma_wait3A_130 : memref<1x1x1x128xi32, #tpu.memory_space<hbm>> -> memref<128xi32, #tpu.memory_space<hbm>>
          %dma_wait3A_132 = arith.constant 0 : i32
          %dma_wait3A_133 = tpu.memref_slice %arg7[%dma_wait3A_125, %dma_wait3A_132] : memref<2x128xi32, #tpu.memory_space<vmem>> -> memref<1x128xi32, #tpu.memory_space<vmem>>
          %dma_wait3A_134 = tpu.memref_squeeze %dma_wait3A_133 : memref<1x128xi32, #tpu.memory_space<vmem>> -> memref<128xi32, #tpu.memory_space<vmem>>
          %dma_wait3A_135 = arith.constant 0 : i32
          %dma_wait3A_136 = tpu.memref_slice %arg3[%arg0, %arg1, %add3A_124, %dma_wait3A_135] : memref<2x16x79x128xi32, #tpu.memory_space<hbm>> -> memref<1x1x1x128xi32, #tpu.memory_space<hbm>>
          %dma_wait3A_137 = tpu.memref_squeeze %dma_wait3A_136 : memref<1x1x1x128xi32, #tpu.memory_space<hbm>> -> memref<128xi32, #tpu.memory_space<hbm>>
          tpu.wait_dma2 semaphore(%arg11 : memref<!tpu.dma_semaphore, #tpu.memory_space<semaphore_mem>>) src(%dma_wait3A_137 : memref<128xi32, #tpu.memory_space<hbm>>) dst(%dma_wait3A_134 : memref<128xi32, #tpu.memory_space<vmem>>)
          %dma_start3A_138 = arith.constant 0 : i32
          %dma_start3A_139 = arith.constant 0 : i32
          %dma_start3A_140 = arith.constant 0 : i32
          %dma_start3A_141 = arith.constant 0 : i32
          %dma_start3A_142 = tpu.memref_slice %arg9[%dma_start3A_139, %dma_start3A_140, %dma_start3A_141] : memref<2x128x128xf32, #tpu.memory_space<vmem>> -> memref<1x128x128xf32, #tpu.memory_space<vmem>>
          %dma_start3A_143 = tpu.memref_squeeze %dma_start3A_142 : memref<1x128x128xf32, #tpu.memory_space<vmem>> -> memref<128x128xf32, #tpu.memory_space<vmem>>
          %dma_start3A_144 = arith.constant 0 : i32
          %dma_start3A_145 = tpu.memref_slice %arg7[%dma_start3A_138, %dma_start3A_144] : memref<2x128xi32, #tpu.memory_space<vmem>> -> memref<1x128xi32, #tpu.memory_space<vmem>>
          %dma_start3A_146 = tpu.memref_squeeze %dma_start3A_145 : memref<1x128xi32, #tpu.memory_space<vmem>> -> memref<128xi32, #tpu.memory_space<vmem>>
          %dma_start3A_147 = arith.constant 0 : i32
          %dma_start3A_148 = arith.constant 0 : i32
          %dma_start3A_149 = tpu.memref_slice %arg2[%dma_start3A_147, %dma_start3A_148] : memref<10240x128xf32, #tpu.memory_space<hbm>> -> memref<10240x128xf32, #tpu.memory_space<hbm>>
          tpu.enqueue_indirect_dma source(%dma_start3A_149 : memref<10240x128xf32, #tpu.memory_space<hbm>>) target(%dma_start3A_143 : memref<128x128xf32, #tpu.memory_space<vmem>>) offsets(%dma_start3A_146 : memref<128xi32, #tpu.memory_space<vmem>>) semaphore(%arg13 : memref<!tpu.dma_semaphore, #tpu.memory_space<semaphore_mem>>)
        } else {
        }
        %dma_wait3A_89 = arith.constant 1 : i32
        %dma_wait3A_90 = arith.constant 1 : i32
        %dma_wait3A_91 = arith.constant 0 : i32
        %dma_wait3A_92 = arith.constant 0 : i32
        %dma_wait3A_93 = tpu.memref_slice %arg9[%dma_wait3A_90, %dma_wait3A_91, %dma_wait3A_92] : memref<2x128x128xf32, #tpu.memory_space<vmem>> -> memref<1x128x128xf32, #tpu.memory_space<vmem>>
        %dma_wait3A_94 = tpu.memref_squeeze %dma_wait3A_93 : memref<1x128x128xf32, #tpu.memory_space<vmem>> -> memref<128x128xf32, #tpu.memory_space<vmem>>
        %dma_wait3A_95 = arith.constant 0 : i32
        %dma_wait3A_96 = tpu.memref_slice %arg7[%dma_wait3A_89, %dma_wait3A_95] : memref<2x128xi32, #tpu.memory_space<vmem>> -> memref<1x128xi32, #tpu.memory_space<vmem>>
        %dma_wait3A_97 = tpu.memref_squeeze %dma_wait3A_96 : memref<1x128xi32, #tpu.memory_space<vmem>> -> memref<128xi32, #tpu.memory_space<vmem>>
        %dma_wait3A_98 = arith.constant 0 : i32
        %dma_wait3A_99 = arith.constant 0 : i32
        %dma_wait3A_100 = tpu.memref_slice %arg2[%dma_wait3A_98, %dma_wait3A_99] : memref<10240x128xf32, #tpu.memory_space<hbm>> -> memref<10240x128xf32, #tpu.memory_space<hbm>>
        tpu.wait_indirect_dma semaphore(%arg14 : memref<!tpu.dma_semaphore, #tpu.memory_space<semaphore_mem>>) src(%dma_wait3A_100 : memref<10240x128xf32, #tpu.memory_space<hbm>>) dst(%dma_wait3A_94 : memref<128x128xf32, #tpu.memory_space<vmem>>)
        %dma_start3A_101 = arith.constant 1 : i32
        %dma_start3A_102 = arith.constant 0 : i32
        %dma_start3A_103 = arith.constant 0 : i32
        %dma_start3A_104 = tpu.memref_slice %arg9[%dma_start3A_101, %dma_start3A_102, %dma_start3A_103] : memref<2x128x128xf32, #tpu.memory_space<vmem>> -> memref<1x128x128xf32, #tpu.memory_space<vmem>>
        %dma_start3A_105 = tpu.memref_squeeze %dma_start3A_104 : memref<1x128x128xf32, #tpu.memory_space<vmem>> -> memref<128x128xf32, #tpu.memory_space<vmem>>
        %dma_start3A_106 = arith.constant 0 : i32
        %dma_start3A_107 = tpu.memref_slice %arg8[%add3A_76, %dma_start3A_106] : memref<79x128xi32, #tpu.memory_space<vmem>> -> memref<1x128xi32, #tpu.memory_space<vmem>>
        %dma_start3A_108 = tpu.memref_squeeze %dma_start3A_107 : memref<1x128xi32, #tpu.memory_space<vmem>> -> memref<128xi32, #tpu.memory_space<vmem>>
        %dma_start3A_109 = arith.constant 0 : i32
        %dma_start3A_110 = arith.constant 0 : i32
        %dma_start3A_111 = tpu.memref_slice %arg10[%dma_start3A_109, %dma_start3A_110] : memref<10240x128xf32, #tpu.memory_space<vmem_shared>> -> memref<10240x128xf32, #tpu.memory_space<vmem_shared>>
        tpu.enqueue_indirect_dma source(%dma_start3A_105 : memref<128x128xf32, #tpu.memory_space<vmem>>) target(%dma_start3A_111 : memref<10240x128xf32, #tpu.memory_space<vmem_shared>>) offsets(%dma_start3A_108 : memref<128xi32, #tpu.memory_space<vmem>>) semaphore(%arg16 : memref<!tpu.dma_semaphore, #tpu.memory_space<semaphore_mem>>) {add = true}
        %add3A_112 = arith.constant 2 : i32
        %add3A_113 = arith.addi %add3A_76, %add3A_112 : i32
        %lt3A_114 = arith.constant 79 : i32
        %lt3A_115 = arith.cmpi slt, %add3A_113, %lt3A_114 : i32
        %convert_element_type3A_116 = arith.extui %lt3A_115 : i1 to i32
        %cond3A_117 = arith.constant 0 : i32
        %cond3A_118 = arith.cmpi ne, %convert_element_type3A_116, %cond3A_117 : i32
        scf.if %cond3A_118 {
          %add3A_119 = arith.constant 2 : i32
          %add3A_120 = arith.addi %add3A_76, %add3A_119 : i32
          %dma_start3A_121 = arith.constant 1 : i32
          %dma_start3A_122 = arith.constant 0 : i32
          %dma_start3A_123 = tpu.memref_slice %arg7[%dma_start3A_121, %dma_start3A_122] : memref<2x128xi32, #tpu.memory_space<vmem>> -> memref<1x128xi32, #tpu.memory_space<vmem>>
          %dma_start3A_124 = tpu.memref_squeeze %dma_start3A_123 : memref<1x128xi32, #tpu.memory_space<vmem>> -> memref<128xi32, #tpu.memory_space<vmem>>
          %dma_start3A_125 = arith.constant 0 : i32
          %dma_start3A_126 = tpu.memref_slice %arg3[%arg0, %arg1, %add3A_120, %dma_start3A_125] : memref<2x16x79x128xi32, #tpu.memory_space<hbm>> -> memref<1x1x1x128xi32, #tpu.memory_space<hbm>>
          %dma_start3A_127 = tpu.memref_squeeze %dma_start3A_126 : memref<1x1x1x128xi32, #tpu.memory_space<hbm>> -> memref<128xi32, #tpu.memory_space<hbm>>
          %dma_start3A_128 = arith.constant 0 : i32
          %dma_start3A_129 = tpu.memref_slice %arg7[%dma_start3A_121, %dma_start3A_128] : memref<2x128xi32, #tpu.memory_space<vmem>> -> memref<1x128xi32, #tpu.memory_space<vmem>>
          %dma_start3A_130 = tpu.memref_squeeze %dma_start3A_129 : memref<1x128xi32, #tpu.memory_space<vmem>> -> memref<128xi32, #tpu.memory_space<vmem>>
          %dma_start3A_131 = arith.constant 0 : i32
          %dma_start3A_132 = tpu.memref_slice %arg3[%arg0, %arg1, %add3A_120, %dma_start3A_131] : memref<2x16x79x128xi32, #tpu.memory_space<hbm>> -> memref<1x1x1x128xi32, #tpu.memory_space<hbm>>
          %dma_start3A_133 = tpu.memref_squeeze %dma_start3A_132 : memref<1x1x1x128xi32, #tpu.memory_space<hbm>> -> memref<128xi32, #tpu.memory_space<hbm>>
          tpu.enqueue_dma source(%dma_start3A_133 : memref<128xi32, #tpu.memory_space<hbm>>) target(%dma_start3A_130 : memref<128xi32, #tpu.memory_space<vmem>>) target_semaphore(%arg12 : memref<!tpu.dma_semaphore, #tpu.memory_space<semaphore_mem>>)
        } else {
        }
      } else {
      }
    }
    %scan3A_37 = arith.constant 40 : i32
    %dma_wait3A = arith.constant 0 : i32
    %dma_wait3A_38 = arith.constant 78 : i32
    %dma_wait3A_39 = arith.constant 0 : i32
    %dma_wait3A_40 = arith.constant 0 : i32
    %dma_wait3A_41 = tpu.memref_slice %arg9[%dma_wait3A, %dma_wait3A_39, %dma_wait3A_40] : memref<2x128x128xf32, #tpu.memory_space<vmem>> -> memref<1x128x128xf32, #tpu.memory_space<vmem>>
    %dma_wait3A_42 = tpu.memref_squeeze %dma_wait3A_41 : memref<1x128x128xf32, #tpu.memory_space<vmem>> -> memref<128x128xf32, #tpu.memory_space<vmem>>
    %dma_wait3A_43 = arith.constant 0 : i32
    %dma_wait3A_44 = tpu.memref_slice %arg8[%dma_wait3A_38, %dma_wait3A_43] : memref<79x128xi32, #tpu.memory_space<vmem>> -> memref<1x128xi32, #tpu.memory_space<vmem>>
    %dma_wait3A_45 = tpu.memref_squeeze %dma_wait3A_44 : memref<1x128xi32, #tpu.memory_space<vmem>> -> memref<128xi32, #tpu.memory_space<vmem>>
    %dma_wait3A_46 = arith.constant 0 : i32
    %dma_wait3A_47 = arith.constant 0 : i32
    %dma_wait3A_48 = tpu.memref_slice %arg10[%dma_wait3A_46, %dma_wait3A_47] : memref<10240x128xf32, #tpu.memory_space<vmem_shared>> -> memref<10240x128xf32, #tpu.memory_space<vmem_shared>>
    tpu.wait_indirect_dma semaphore(%arg15 : memref<!tpu.dma_semaphore, #tpu.memory_space<semaphore_mem>>) src(%dma_wait3A_42 : memref<128x128xf32, #tpu.memory_space<vmem>>) dst(%dma_wait3A_48 : memref<10240x128xf32, #tpu.memory_space<vmem_shared>>)
    %dma_wait3A_49 = arith.constant 1 : i32
    %dma_wait3A_50 = arith.constant 77 : i32
    %dma_wait3A_51 = arith.constant 0 : i32
    %dma_wait3A_52 = arith.constant 0 : i32
    %dma_wait3A_53 = tpu.memref_slice %arg9[%dma_wait3A_49, %dma_wait3A_51, %dma_wait3A_52] : memref<2x128x128xf32, #tpu.memory_space<vmem>> -> memref<1x128x128xf32, #tpu.memory_space<vmem>>
    %dma_wait3A_54 = tpu.memref_squeeze %dma_wait3A_53 : memref<1x128x128xf32, #tpu.memory_space<vmem>> -> memref<128x128xf32, #tpu.memory_space<vmem>>
    %dma_wait3A_55 = arith.constant 0 : i32
    %dma_wait3A_56 = tpu.memref_slice %arg8[%dma_wait3A_50, %dma_wait3A_55] : memref<79x128xi32, #tpu.memory_space<vmem>> -> memref<1x128xi32, #tpu.memory_space<vmem>>
    %dma_wait3A_57 = tpu.memref_squeeze %dma_wait3A_56 : memref<1x128xi32, #tpu.memory_space<vmem>> -> memref<128xi32, #tpu.memory_space<vmem>>
    %dma_wait3A_58 = arith.constant 0 : i32
    %dma_wait3A_59 = arith.constant 0 : i32
    %dma_wait3A_60 = tpu.memref_slice %arg10[%dma_wait3A_58, %dma_wait3A_59] : memref<10240x128xf32, #tpu.memory_space<vmem_shared>> -> memref<10240x128xf32, #tpu.memory_space<vmem_shared>>
    tpu.wait_indirect_dma semaphore(%arg16 : memref<!tpu.dma_semaphore, #tpu.memory_space<semaphore_mem>>) src(%dma_wait3A_54 : memref<128x128xf32, #tpu.memory_space<vmem>>) dst(%dma_wait3A_60 : memref<10240x128xf32, #tpu.memory_space<vmem_shared>>)
    %barrier3A_61 = arith.constant 0 : index
    tpu.barrier barrier_id(%barrier3A_61)
    %mul3A = arith.constant 640 : i32
    %mul3A_62 = arith.muli %arg1, %mul3A : i32
    %mul3A_63 = arith.constant 640 : i32
    %mul3A_64 = arith.muli %arg1, %mul3A_63 : i32
    "tpu.region"() ({
      %run_scoped3A_65 = tpu.sem_alloc : memref<!tpu.dma_semaphore, #tpu.memory_space<semaphore_mem>>
      %dma_start3A_66 = arith.constant 0 : i32
      %dma_start3A_67 = tpu.memref_slice %arg6[%arg0, %mul3A_64, %dma_start3A_66] : memref<2x10240x128xf32, #tpu.memory_space<hbm>> -> memref<1x640x128xf32, #tpu.memory_space<hbm>>
      %dma_start3A_68 = tpu.memref_squeeze %dma_start3A_67 : memref<1x640x128xf32, #tpu.memory_space<hbm>> -> memref<640x128xf32, #tpu.memory_space<hbm>>
      %dma_start3A_69 = arith.constant 0 : i32
      %dma_start3A_70 = tpu.memref_slice %arg10[%mul3A_62, %dma_start3A_69] : memref<10240x128xf32, #tpu.memory_space<vmem_shared>> -> memref<640x128xf32, #tpu.memory_space<vmem_shared>>
      tpu.enqueue_dma source(%dma_start3A_70 : memref<640x128xf32, #tpu.memory_space<vmem_shared>>) target(%dma_start3A_68 : memref<640x128xf32, #tpu.memory_space<hbm>>) target_semaphore(%run_scoped3A_65 : memref<!tpu.dma_semaphore, #tpu.memory_space<semaphore_mem>>)
      %dma_wait3A_71 = arith.constant 0 : i32
      %dma_wait3A_72 = tpu.memref_slice %arg6[%arg0, %mul3A_64, %dma_wait3A_71] : memref<2x10240x128xf32, #tpu.memory_space<hbm>> -> memref<1x640x128xf32, #tpu.memory_space<hbm>>
      %dma_wait3A_73 = tpu.memref_squeeze %dma_wait3A_72 : memref<1x640x128xf32, #tpu.memory_space<hbm>> -> memref<640x128xf32, #tpu.memory_space<hbm>>
      %dma_wait3A_74 = arith.constant 0 : i32
      %dma_wait3A_75 = tpu.memref_slice %arg10[%mul3A_62, %dma_wait3A_74] : memref<10240x128xf32, #tpu.memory_space<vmem_shared>> -> memref<640x128xf32, #tpu.memory_space<vmem_shared>>
      tpu.wait_dma2 semaphore(%run_scoped3A_65 : memref<!tpu.dma_semaphore, #tpu.memory_space<semaphore_mem>>) src(%dma_wait3A_75 : memref<640x128xf32, #tpu.memory_space<vmem_shared>>) dst(%dma_wait3A_73 : memref<640x128xf32, #tpu.memory_space<hbm>>)
      tpu.yield
    }) : () -> ()
    return
  }
}

#map = affine_map<(d0, d1) -> (0, 0, 0, 0)>
module attributes {stable_mosaic.version = 14 : i64} {
  func.func @body(%arg0: i32, %arg1: i32, %arg2: memref<2x16x79x128xi32, #tpu.memory_space<hbm>>, %arg3: memref<2x16x80x128xf32, #tpu.memory_space<hbm>>, %arg4: memref<79x128xi32, #tpu.memory_space<vmem>>, %arg5: memref<80x128xf32, #tpu.memory_space<vmem>>) attributes {dimension_semantics = [#tpu.dimension_semantics<core_parallel>, #tpu.dimension_semantics<subcore_parallel>], iteration_bounds = array<i64: 2, 16>, scalar_prefetch = 0 : i64, scratch_operands = 2 : i64, tpu.core_type = #tpu.core_type<sc_vector_subcore>, window_params = [{transform_indices = #map}, {transform_indices = #map}]} {
    "tpu.region"() ({
      %run_scoped3A = tpu.sem_alloc : memref<!tpu.dma_semaphore, #tpu.memory_space<semaphore_mem>>
      %dma_start3A = arith.constant 0 : i32
      %dma_start3A_14 = arith.constant 0 : i32
      %dma_start3A_15 = tpu.memref_slice %arg2[%arg0, %arg1, %dma_start3A, %dma_start3A_14] : memref<2x16x79x128xi32, #tpu.memory_space<hbm>> -> memref<1x1x79x128xi32, #tpu.memory_space<hbm>>
      %dma_start3A_16 = tpu.memref_squeeze %dma_start3A_15 : memref<1x1x79x128xi32, #tpu.memory_space<hbm>> -> memref<79x128xi32, #tpu.memory_space<hbm>>
      %dma_start3A_17 = arith.constant 0 : i32
      %dma_start3A_18 = arith.constant 0 : i32
      %dma_start3A_19 = tpu.memref_slice %arg2[%arg0, %arg1, %dma_start3A_17, %dma_start3A_18] : memref<2x16x79x128xi32, #tpu.memory_space<hbm>> -> memref<1x1x79x128xi32, #tpu.memory_space<hbm>>
      %dma_start3A_20 = tpu.memref_squeeze %dma_start3A_19 : memref<1x1x79x128xi32, #tpu.memory_space<hbm>> -> memref<79x128xi32, #tpu.memory_space<hbm>>
      tpu.enqueue_dma source(%dma_start3A_20 : memref<79x128xi32, #tpu.memory_space<hbm>>) target(%arg4 : memref<79x128xi32, #tpu.memory_space<vmem>>) target_semaphore(%run_scoped3A : memref<!tpu.dma_semaphore, #tpu.memory_space<semaphore_mem>>)
      %dma_wait3A = arith.constant 0 : i32
      %dma_wait3A_21 = arith.constant 0 : i32
      %dma_wait3A_22 = tpu.memref_slice %arg2[%arg0, %arg1, %dma_wait3A, %dma_wait3A_21] : memref<2x16x79x128xi32, #tpu.memory_space<hbm>> -> memref<1x1x79x128xi32, #tpu.memory_space<hbm>>
      %dma_wait3A_23 = tpu.memref_squeeze %dma_wait3A_22 : memref<1x1x79x128xi32, #tpu.memory_space<hbm>> -> memref<79x128xi32, #tpu.memory_space<hbm>>
      %dma_wait3A_24 = arith.constant 0 : i32
      %dma_wait3A_25 = arith.constant 0 : i32
      %dma_wait3A_26 = tpu.memref_slice %arg2[%arg0, %arg1, %dma_wait3A_24, %dma_wait3A_25] : memref<2x16x79x128xi32, #tpu.memory_space<hbm>> -> memref<1x1x79x128xi32, #tpu.memory_space<hbm>>
      %dma_wait3A_27 = tpu.memref_squeeze %dma_wait3A_26 : memref<1x1x79x128xi32, #tpu.memory_space<hbm>> -> memref<79x128xi32, #tpu.memory_space<hbm>>
      tpu.wait_dma2 semaphore(%run_scoped3A : memref<!tpu.dma_semaphore, #tpu.memory_space<semaphore_mem>>) src(%dma_wait3A_27 : memref<79x128xi32, #tpu.memory_space<hbm>>) dst(%arg4 : memref<79x128xi32, #tpu.memory_space<vmem>>)
      tpu.yield
    }) : () -> ()
    %broadcast_in_dim3A = arith.constant 0.000000e+00 : f32
    %broadcast_in_dim3A_0 = vector.broadcast %broadcast_in_dim3A : f32 to vector<16xf32>
    %scan3A = arith.constant 0 : i32
    %scan3A_1 = arith.constant 0 : i32
    %scan3A_2 = arith.constant 80 : i32
    %scan3A_3 = arith.addi %scan3A_1, %scan3A_2 : i32
    %scan3A_4 = arith.constant 1 : i32
    scf.for %scan3A_14 = %scan3A_1 to %scan3A_3 step %scan3A_4  : i32 {
      %swap3A = arith.index_cast %scan3A_14 : i32 to index
      %swap3A_15 = arith.constant 0 : index
      %swap3A_16 = tpu.vector_load %arg5[%swap3A, %swap3A_15] {strides = array<i32>} : memref<80x128xf32, #tpu.memory_space<vmem>>, vector<16xf32>,
      tpu.vector_store %arg5[%swap3A, %swap3A_15], %broadcast_in_dim3A_0 {strides = array<i32>} : memref<80x128xf32, #tpu.memory_space<vmem>>, vector<16xf32>,
      %swap3A_17 = arith.index_cast %scan3A_14 : i32 to index
      %swap3A_18 = arith.constant 16 : index
      %swap3A_19 = tpu.vector_load %arg5[%swap3A_17, %swap3A_18] {strides = array<i32>} : memref<80x128xf32, #tpu.memory_space<vmem>>, vector<16xf32>,
      tpu.vector_store %arg5[%swap3A_17, %swap3A_18], %broadcast_in_dim3A_0 {strides = array<i32>} : memref<80x128xf32, #tpu.memory_space<vmem>>, vector<16xf32>,
      %swap3A_20 = arith.index_cast %scan3A_14 : i32 to index
      %swap3A_21 = arith.constant 32 : index
      %swap3A_22 = tpu.vector_load %arg5[%swap3A_20, %swap3A_21] {strides = array<i32>} : memref<80x128xf32, #tpu.memory_space<vmem>>, vector<16xf32>,
      tpu.vector_store %arg5[%swap3A_20, %swap3A_21], %broadcast_in_dim3A_0 {strides = array<i32>} : memref<80x128xf32, #tpu.memory_space<vmem>>, vector<16xf32>,
      %swap3A_23 = arith.index_cast %scan3A_14 : i32 to index
      %swap3A_24 = arith.constant 48 : index
      %swap3A_25 = tpu.vector_load %arg5[%swap3A_23, %swap3A_24] {strides = array<i32>} : memref<80x128xf32, #tpu.memory_space<vmem>>, vector<16xf32>,
      tpu.vector_store %arg5[%swap3A_23, %swap3A_24], %broadcast_in_dim3A_0 {strides = array<i32>} : memref<80x128xf32, #tpu.memory_space<vmem>>, vector<16xf32>,
      %swap3A_26 = arith.index_cast %scan3A_14 : i32 to index
      %swap3A_27 = arith.constant 64 : index
      %swap3A_28 = tpu.vector_load %arg5[%swap3A_26, %swap3A_27] {strides = array<i32>} : memref<80x128xf32, #tpu.memory_space<vmem>>, vector<16xf32>,
      tpu.vector_store %arg5[%swap3A_26, %swap3A_27], %broadcast_in_dim3A_0 {strides = array<i32>} : memref<80x128xf32, #tpu.memory_space<vmem>>, vector<16xf32>,
      %swap3A_29 = arith.index_cast %scan3A_14 : i32 to index
      %swap3A_30 = arith.constant 80 : index
      %swap3A_31 = tpu.vector_load %arg5[%swap3A_29, %swap3A_30] {strides = array<i32>} : memref<80x128xf32, #tpu.memory_space<vmem>>, vector<16xf32>,
      tpu.vector_store %arg5[%swap3A_29, %swap3A_30], %broadcast_in_dim3A_0 {strides = array<i32>} : memref<80x128xf32, #tpu.memory_space<vmem>>, vector<16xf32>,
      %swap3A_32 = arith.index_cast %scan3A_14 : i32 to index
      %swap3A_33 = arith.constant 96 : index
      %swap3A_34 = tpu.vector_load %arg5[%swap3A_32, %swap3A_33] {strides = array<i32>} : memref<80x128xf32, #tpu.memory_space<vmem>>, vector<16xf32>,
      tpu.vector_store %arg5[%swap3A_32, %swap3A_33], %broadcast_in_dim3A_0 {strides = array<i32>} : memref<80x128xf32, #tpu.memory_space<vmem>>, vector<16xf32>,
      %swap3A_35 = arith.index_cast %scan3A_14 : i32 to index
      %swap3A_36 = arith.constant 112 : index
      %swap3A_37 = tpu.vector_load %arg5[%swap3A_35, %swap3A_36] {strides = array<i32>} : memref<80x128xf32, #tpu.memory_space<vmem>>, vector<16xf32>,
      tpu.vector_store %arg5[%swap3A_35, %swap3A_36], %broadcast_in_dim3A_0 {strides = array<i32>} : memref<80x128xf32, #tpu.memory_space<vmem>>, vector<16xf32>,
    }
    %scan3A_5 = arith.constant 80 : i32
    %broadcast_in_dim3A_6 = arith.constant 1.000000e+00 : f32
    %broadcast_in_dim3A_7 = vector.broadcast %broadcast_in_dim3A_6 : f32 to vector<16xf32>
    %scan3A_8 = arith.constant 0 : i32
    %scan3A_9 = arith.constant 0 : i32
    %scan3A_10 = arith.constant 79 : i32
    %scan3A_11 = arith.addi %scan3A_9, %scan3A_10 : i32
    %scan3A_12 = arith.constant 1 : i32
    scf.for %scan3A_14 = %scan3A_9 to %scan3A_11 step %scan3A_12  : i32 {
      %get3A = arith.index_cast %scan3A_14 : i32 to index
      %get3A_15 = arith.constant 0 : index
      %get3A_16 = tpu.vector_load %arg4[%get3A, %get3A_15] {strides = array<i32>} : memref<79x128xi32, #tpu.memory_space<vmem>>, vector<16xi32>,
      %shift_right_arithmetic3A = arith.constant 7 : i32
      %shift_right_arithmetic3A_17 = vector.broadcast %shift_right_arithmetic3A : i32 to vector<16xi32>
      %shift_right_arithmetic3A_18 = arith.shrsi %get3A_16, %shift_right_arithmetic3A_17 : vector<16xi32>
      %and3A = arith.constant 127 : i32
      %and3A_19 = vector.broadcast %and3A : i32 to vector<16xi32>
      %and3A_20 = arith.andi %get3A_16, %and3A_19 : vector<16xi32>
      tpu.vector_store_idx %arg5[%shift_right_arithmetic3A_18, %and3A_20], %broadcast_in_dim3A_7 {add = true} : memref<80x128xf32, #tpu.memory_space<vmem>>[vector<16xi32>, vector<16xi32>], vector<16xf32>,
      %get3A_21 = arith.index_cast %scan3A_14 : i32 to index
      %get3A_22 = arith.constant 16 : index
      %get3A_23 = tpu.vector_load %arg4[%get3A_21, %get3A_22] {strides = array<i32>} : memref<79x128xi32, #tpu.memory_space<vmem>>, vector<16xi32>,
      %shift_right_arithmetic3A_24 = arith.constant 7 : i32
      %shift_right_arithmetic3A_25 = vector.broadcast %shift_right_arithmetic3A_24 : i32 to vector<16xi32>
      %shift_right_arithmetic3A_26 = arith.shrsi %get3A_23, %shift_right_arithmetic3A_25 : vector<16xi32>
      %and3A_27 = arith.constant 127 : i32
      %and3A_28 = vector.broadcast %and3A_27 : i32 to vector<16xi32>
      %and3A_29 = arith.andi %get3A_23, %and3A_28 : vector<16xi32>
      tpu.vector_store_idx %arg5[%shift_right_arithmetic3A_26, %and3A_29], %broadcast_in_dim3A_7 {add = true} : memref<80x128xf32, #tpu.memory_space<vmem>>[vector<16xi32>, vector<16xi32>], vector<16xf32>,
      %get3A_30 = arith.index_cast %scan3A_14 : i32 to index
      %get3A_31 = arith.constant 32 : index
      %get3A_32 = tpu.vector_load %arg4[%get3A_30, %get3A_31] {strides = array<i32>} : memref<79x128xi32, #tpu.memory_space<vmem>>, vector<16xi32>,
      %shift_right_arithmetic3A_33 = arith.constant 7 : i32
      %shift_right_arithmetic3A_34 = vector.broadcast %shift_right_arithmetic3A_33 : i32 to vector<16xi32>
      %shift_right_arithmetic3A_35 = arith.shrsi %get3A_32, %shift_right_arithmetic3A_34 : vector<16xi32>
      %and3A_36 = arith.constant 127 : i32
      %and3A_37 = vector.broadcast %and3A_36 : i32 to vector<16xi32>
      %and3A_38 = arith.andi %get3A_32, %and3A_37 : vector<16xi32>
      tpu.vector_store_idx %arg5[%shift_right_arithmetic3A_35, %and3A_38], %broadcast_in_dim3A_7 {add = true} : memref<80x128xf32, #tpu.memory_space<vmem>>[vector<16xi32>, vector<16xi32>], vector<16xf32>,
      %get3A_39 = arith.index_cast %scan3A_14 : i32 to index
      %get3A_40 = arith.constant 48 : index
      %get3A_41 = tpu.vector_load %arg4[%get3A_39, %get3A_40] {strides = array<i32>} : memref<79x128xi32, #tpu.memory_space<vmem>>, vector<16xi32>,
      %shift_right_arithmetic3A_42 = arith.constant 7 : i32
      %shift_right_arithmetic3A_43 = vector.broadcast %shift_right_arithmetic3A_42 : i32 to vector<16xi32>
      %shift_right_arithmetic3A_44 = arith.shrsi %get3A_41, %shift_right_arithmetic3A_43 : vector<16xi32>
      %and3A_45 = arith.constant 127 : i32
      %and3A_46 = vector.broadcast %and3A_45 : i32 to vector<16xi32>
      %and3A_47 = arith.andi %get3A_41, %and3A_46 : vector<16xi32>
      tpu.vector_store_idx %arg5[%shift_right_arithmetic3A_44, %and3A_47], %broadcast_in_dim3A_7 {add = true} : memref<80x128xf32, #tpu.memory_space<vmem>>[vector<16xi32>, vector<16xi32>], vector<16xf32>,
      %get3A_48 = arith.index_cast %scan3A_14 : i32 to index
      %get3A_49 = arith.constant 64 : index
      %get3A_50 = tpu.vector_load %arg4[%get3A_48, %get3A_49] {strides = array<i32>} : memref<79x128xi32, #tpu.memory_space<vmem>>, vector<16xi32>,
      %shift_right_arithmetic3A_51 = arith.constant 7 : i32
      %shift_right_arithmetic3A_52 = vector.broadcast %shift_right_arithmetic3A_51 : i32 to vector<16xi32>
      %shift_right_arithmetic3A_53 = arith.shrsi %get3A_50, %shift_right_arithmetic3A_52 : vector<16xi32>
      %and3A_54 = arith.constant 127 : i32
      %and3A_55 = vector.broadcast %and3A_54 : i32 to vector<16xi32>
      %and3A_56 = arith.andi %get3A_50, %and3A_55 : vector<16xi32>
      tpu.vector_store_idx %arg5[%shift_right_arithmetic3A_53, %and3A_56], %broadcast_in_dim3A_7 {add = true} : memref<80x128xf32, #tpu.memory_space<vmem>>[vector<16xi32>, vector<16xi32>], vector<16xf32>,
      %get3A_57 = arith.index_cast %scan3A_14 : i32 to index
      %get3A_58 = arith.constant 80 : index
      %get3A_59 = tpu.vector_load %arg4[%get3A_57, %get3A_58] {strides = array<i32>} : memref<79x128xi32, #tpu.memory_space<vmem>>, vector<16xi32>,
      %shift_right_arithmetic3A_60 = arith.constant 7 : i32
      %shift_right_arithmetic3A_61 = vector.broadcast %shift_right_arithmetic3A_60 : i32 to vector<16xi32>
      %shift_right_arithmetic3A_62 = arith.shrsi %get3A_59, %shift_right_arithmetic3A_61 : vector<16xi32>
      %and3A_63 = arith.constant 127 : i32
      %and3A_64 = vector.broadcast %and3A_63 : i32 to vector<16xi32>
      %and3A_65 = arith.andi %get3A_59, %and3A_64 : vector<16xi32>
      tpu.vector_store_idx %arg5[%shift_right_arithmetic3A_62, %and3A_65], %broadcast_in_dim3A_7 {add = true} : memref<80x128xf32, #tpu.memory_space<vmem>>[vector<16xi32>, vector<16xi32>], vector<16xf32>,
      %get3A_66 = arith.index_cast %scan3A_14 : i32 to index
      %get3A_67 = arith.constant 96 : index
      %get3A_68 = tpu.vector_load %arg4[%get3A_66, %get3A_67] {strides = array<i32>} : memref<79x128xi32, #tpu.memory_space<vmem>>, vector<16xi32>,
      %shift_right_arithmetic3A_69 = arith.constant 7 : i32
      %shift_right_arithmetic3A_70 = vector.broadcast %shift_right_arithmetic3A_69 : i32 to vector<16xi32>
      %shift_right_arithmetic3A_71 = arith.shrsi %get3A_68, %shift_right_arithmetic3A_70 : vector<16xi32>
      %and3A_72 = arith.constant 127 : i32
      %and3A_73 = vector.broadcast %and3A_72 : i32 to vector<16xi32>
      %and3A_74 = arith.andi %get3A_68, %and3A_73 : vector<16xi32>
      tpu.vector_store_idx %arg5[%shift_right_arithmetic3A_71, %and3A_74], %broadcast_in_dim3A_7 {add = true} : memref<80x128xf32, #tpu.memory_space<vmem>>[vector<16xi32>, vector<16xi32>], vector<16xf32>,
      %get3A_75 = arith.index_cast %scan3A_14 : i32 to index
      %get3A_76 = arith.constant 112 : index
      %get3A_77 = tpu.vector_load %arg4[%get3A_75, %get3A_76] {strides = array<i32>} : memref<79x128xi32, #tpu.memory_space<vmem>>, vector<16xi32>,
      %shift_right_arithmetic3A_78 = arith.constant 7 : i32
      %shift_right_arithmetic3A_79 = vector.broadcast %shift_right_arithmetic3A_78 : i32 to vector<16xi32>
      %shift_right_arithmetic3A_80 = arith.shrsi %get3A_77, %shift_right_arithmetic3A_79 : vector<16xi32>
      %and3A_81 = arith.constant 127 : i32
      %and3A_82 = vector.broadcast %and3A_81 : i32 to vector<16xi32>
      %and3A_83 = arith.andi %get3A_77, %and3A_82 : vector<16xi32>
      tpu.vector_store_idx %arg5[%shift_right_arithmetic3A_80, %and3A_83], %broadcast_in_dim3A_7 {add = true} : memref<80x128xf32, #tpu.memory_space<vmem>>[vector<16xi32>, vector<16xi32>], vector<16xf32>,
    }
    %scan3A_13 = arith.constant 79 : i32
    "tpu.region"() ({
      %run_scoped3A = tpu.sem_alloc : memref<!tpu.dma_semaphore, #tpu.memory_space<semaphore_mem>>
      %dma_start3A = arith.constant 0 : i32
      %dma_start3A_14 = arith.constant 0 : i32
      %dma_start3A_15 = tpu.memref_slice %arg3[%arg0, %arg1, %dma_start3A, %dma_start3A_14] : memref<2x16x80x128xf32, #tpu.memory_space<hbm>> -> memref<1x1x80x128xf32, #tpu.memory_space<hbm>>
      %dma_start3A_16 = tpu.memref_squeeze %dma_start3A_15 : memref<1x1x80x128xf32, #tpu.memory_space<hbm>> -> memref<80x128xf32, #tpu.memory_space<hbm>>
      %dma_start3A_17 = arith.constant 0 : i32
      %dma_start3A_18 = arith.constant 0 : i32
      %dma_start3A_19 = tpu.memref_slice %arg3[%arg0, %arg1, %dma_start3A_17, %dma_start3A_18] : memref<2x16x80x128xf32, #tpu.memory_space<hbm>> -> memref<1x1x80x128xf32, #tpu.memory_space<hbm>>
      %dma_start3A_20 = tpu.memref_squeeze %dma_start3A_19 : memref<1x1x80x128xf32, #tpu.memory_space<hbm>> -> memref<80x128xf32, #tpu.memory_space<hbm>>
      tpu.enqueue_dma source(%arg5 : memref<80x128xf32, #tpu.memory_space<vmem>>) target(%dma_start3A_20 : memref<80x128xf32, #tpu.memory_space<hbm>>) target_semaphore(%run_scoped3A : memref<!tpu.dma_semaphore, #tpu.memory_space<semaphore_mem>>)
      %dma_wait3A = arith.constant 0 : i32
      %dma_wait3A_21 = arith.constant 0 : i32
      %dma_wait3A_22 = tpu.memref_slice %arg3[%arg0, %arg1, %dma_wait3A, %dma_wait3A_21] : memref<2x16x80x128xf32, #tpu.memory_space<hbm>> -> memref<1x1x80x128xf32, #tpu.memory_space<hbm>>
      %dma_wait3A_23 = tpu.memref_squeeze %dma_wait3A_22 : memref<1x1x80x128xf32, #tpu.memory_space<hbm>> -> memref<80x128xf32, #tpu.memory_space<hbm>>
      %dma_wait3A_24 = arith.constant 0 : i32
      %dma_wait3A_25 = arith.constant 0 : i32
      %dma_wait3A_26 = tpu.memref_slice %arg3[%arg0, %arg1, %dma_wait3A_24, %dma_wait3A_25] : memref<2x16x80x128xf32, #tpu.memory_space<hbm>> -> memref<1x1x80x128xf32, #tpu.memory_space<hbm>>
      %dma_wait3A_27 = tpu.memref_squeeze %dma_wait3A_26 : memref<1x1x80x128xf32, #tpu.memory_space<hbm>> -> memref<80x128xf32, #tpu.memory_space<hbm>>
      tpu.wait_dma2 semaphore(%run_scoped3A : memref<!tpu.dma_semaphore, #tpu.memory_space<semaphore_mem>>) src(%arg5 : memref<80x128xf32, #tpu.memory_space<vmem>>) dst(%dma_wait3A_27 : memref<80x128xf32, #tpu.memory_space<hbm>>)
      tpu.yield
    }) : () -> ()
    return
  }
}

#map = affine_map<(d0, d1) -> (0, 0)>
#map1 = affine_map<(d0, d1) -> (0, 0, 0, 0)>
#map2 = affine_map<(d0, d1) -> (0, 0, 0)>
module attributes {stable_mosaic.version = 14 : i64} {
  func.func @body(%arg0: i32, %arg1: i32, %arg2: memref<10240x128xf32, #tpu.memory_space<hbm>>, %arg3: memref<2x16x79x128xi32, #tpu.memory_space<hbm>>, %arg4: memref<2x16x79x128xi32, #tpu.memory_space<hbm>>, %arg5: memref<640x128xf32, #tpu.memory_space<hbm>>, %arg6: memref<2x10240x128xf32, #tpu.memory_space<hbm>>, %arg7: memref<2x128xi32, #tpu.memory_space<vmem>>, %arg8: memref<79x128xi32, #tpu.memory_space<vmem>>, %arg9: memref<2x128x128xf32, #tpu.memory_space<vmem>>, %arg10: memref<10240x128xf32, #tpu.memory_space<vmem_shared>>, %arg11: memref<!tpu.dma_semaphore, #tpu.memory_space<semaphore_mem>>, %arg12: memref<!tpu.dma_semaphore, #tpu.memory_space<semaphore_mem>>, %arg13: memref<!tpu.dma_semaphore, #tpu.memory_space<semaphore_mem>>, %arg14: memref<!tpu.dma_semaphore, #tpu.memory_space<semaphore_mem>>, %arg15: memref<!tpu.dma_semaphore, #tpu.memory_space<semaphore_mem>>, %arg16: memref<!tpu.dma_semaphore, #tpu.memory_space<semaphore_mem>>) attributes {dimension_semantics = [#tpu.dimension_semantics<core_parallel>, #tpu.dimension_semantics<subcore_parallel>], iteration_bounds = array<i64: 2, 16>, scalar_prefetch = 0 : i64, scratch_operands = 10 : i64, tpu.core_type = #tpu.core_type<sc_vector_subcore>, window_params = [{transform_indices = #map}, {transform_indices = #map1}, {transform_indices = #map1}, {transform_indices = #map}, {transform_indices = #map2}]} {
    %eq3A = arith.constant 0 : i32
    %eq3A_0 = arith.cmpi eq, %arg0, %eq3A : i32
    %convert_element_type3A = arith.extui %eq3A_0 : i1 to i32
    %cond3A = arith.constant 0 : i32
    %cond3A_1 = arith.cmpi ne, %convert_element_type3A, %cond3A : i32
    scf.if %cond3A_1 {
      %mul3A_65 = arith.constant 640 : i32
      %mul3A_66 = arith.muli %arg1, %mul3A_65 : i32
      %mul3A_67 = arith.constant 640 : i32
      %mul3A_68 = arith.muli %arg1, %mul3A_67 : i32
      "tpu.region"() ({
        %run_scoped3A_69 = tpu.sem_alloc : memref<!tpu.dma_semaphore, #tpu.memory_space<semaphore_mem>>
        %dma_start3A_70 = arith.constant 0 : i32
        %dma_start3A_71 = tpu.memref_slice %arg10[%mul3A_68, %dma_start3A_70] : memref<10240x128xf32, #tpu.memory_space<vmem_shared>> -> memref<640x128xf32, #tpu.memory_space<vmem_shared>>
        %dma_start3A_72 = arith.constant 0 : i32
        %dma_start3A_73 = tpu.memref_slice %arg2[%mul3A_66, %dma_start3A_72] : memref<10240x128xf32, #tpu.memory_space<hbm>> -> memref<640x128xf32, #tpu.memory_space<hbm>>
        tpu.enqueue_dma source(%dma_start3A_73 : memref<640x128xf32, #tpu.memory_space<hbm>>) target(%dma_start3A_71 : memref<640x128xf32, #tpu.memory_space<vmem_shared>>) target_semaphore(%run_scoped3A_69 : memref<!tpu.dma_semaphore, #tpu.memory_space<semaphore_mem>>)
        %dma_wait3A_74 = arith.constant 0 : i32
        %dma_wait3A_75 = tpu.memref_slice %arg10[%mul3A_68, %dma_wait3A_74] : memref<10240x128xf32, #tpu.memory_space<vmem_shared>> -> memref<640x128xf32, #tpu.memory_space<vmem_shared>>
        %dma_wait3A_76 = arith.constant 0 : i32
        %dma_wait3A_77 = tpu.memref_slice %arg2[%mul3A_66, %dma_wait3A_76] : memref<10240x128xf32, #tpu.memory_space<hbm>> -> memref<640x128xf32, #tpu.memory_space<hbm>>
        tpu.wait_dma2 semaphore(%run_scoped3A_69 : memref<!tpu.dma_semaphore, #tpu.memory_space<semaphore_mem>>) src(%dma_wait3A_77 : memref<640x128xf32, #tpu.memory_space<hbm>>) dst(%dma_wait3A_75 : memref<640x128xf32, #tpu.memory_space<vmem_shared>>)
        tpu.yield
      }) : () -> ()
    } else {
    }
    %eq3A_2 = arith.constant 1 : i32
    %eq3A_3 = arith.cmpi eq, %arg0, %eq3A_2 : i32
    %convert_element_type3A_4 = arith.extui %eq3A_3 : i1 to i32
    %cond3A_5 = arith.constant 0 : i32
    %cond3A_6 = arith.cmpi ne, %convert_element_type3A_4, %cond3A_5 : i32
    scf.if %cond3A_6 {
      %mul3A_65 = arith.constant 640 : i32
      %mul3A_66 = arith.muli %arg1, %mul3A_65 : i32
      "tpu.region"() ({
        %run_scoped3A_67 = tpu.sem_alloc : memref<!tpu.dma_semaphore, #tpu.memory_space<semaphore_mem>>
        %dma_start3A_68 = arith.constant 0 : i32
        %dma_start3A_69 = tpu.memref_slice %arg10[%mul3A_66, %dma_start3A_68] : memref<10240x128xf32, #tpu.memory_space<vmem_shared>> -> memref<640x128xf32, #tpu.memory_space<vmem_shared>>
        tpu.enqueue_dma source(%arg5 : memref<640x128xf32, #tpu.memory_space<hbm>>) target(%dma_start3A_69 : memref<640x128xf32, #tpu.memory_space<vmem_shared>>) target_semaphore(%run_scoped3A_67 : memref<!tpu.dma_semaphore, #tpu.memory_space<semaphore_mem>>)
        %dma_wait3A_70 = arith.constant 0 : i32
        %dma_wait3A_71 = tpu.memref_slice %arg10[%mul3A_66, %dma_wait3A_70] : memref<10240x128xf32, #tpu.memory_space<vmem_shared>> -> memref<640x128xf32, #tpu.memory_space<vmem_shared>>
        tpu.wait_dma2 semaphore(%run_scoped3A_67 : memref<!tpu.dma_semaphore, #tpu.memory_space<semaphore_mem>>) src(%arg5 : memref<640x128xf32, #tpu.memory_space<hbm>>) dst(%dma_wait3A_71 : memref<640x128xf32, #tpu.memory_space<vmem_shared>>)
        tpu.yield
      }) : () -> ()
    } else {
    }
    "tpu.region"() ({
      %run_scoped3A_65 = tpu.sem_alloc : memref<!tpu.dma_semaphore, #tpu.memory_space<semaphore_mem>>
      %dma_start3A_66 = arith.constant 0 : i32
      %dma_start3A_67 = arith.constant 0 : i32
      %dma_start3A_68 = tpu.memref_slice %arg4[%arg0, %arg1, %dma_start3A_66, %dma_start3A_67] : memref<2x16x79x128xi32, #tpu.memory_space<hbm>> -> memref<1x1x79x128xi32, #tpu.memory_space<hbm>>
      %dma_start3A_69 = tpu.memref_squeeze %dma_start3A_68 : memref<1x1x79x128xi32, #tpu.memory_space<hbm>> -> memref<79x128xi32, #tpu.memory_space<hbm>>
      %dma_start3A_70 = arith.constant 0 : i32
      %dma_start3A_71 = arith.constant 0 : i32
      %dma_start3A_72 = tpu.memref_slice %arg4[%arg0, %arg1, %dma_start3A_70, %dma_start3A_71] : memref<2x16x79x128xi32, #tpu.memory_space<hbm>> -> memref<1x1x79x128xi32, #tpu.memory_space<hbm>>
      %dma_start3A_73 = tpu.memref_squeeze %dma_start3A_72 : memref<1x1x79x128xi32, #tpu.memory_space<hbm>> -> memref<79x128xi32, #tpu.memory_space<hbm>>
      tpu.enqueue_dma source(%dma_start3A_73 : memref<79x128xi32, #tpu.memory_space<hbm>>) target(%arg8 : memref<79x128xi32, #tpu.memory_space<vmem>>) target_semaphore(%run_scoped3A_65 : memref<!tpu.dma_semaphore, #tpu.memory_space<semaphore_mem>>)
      %dma_wait3A_74 = arith.constant 0 : i32
      %dma_wait3A_75 = arith.constant 0 : i32
      %dma_wait3A_76 = tpu.memref_slice %arg4[%arg0, %arg1, %dma_wait3A_74, %dma_wait3A_75] : memref<2x16x79x128xi32, #tpu.memory_space<hbm>> -> memref<1x1x79x128xi32, #tpu.memory_space<hbm>>
      %dma_wait3A_77 = tpu.memref_squeeze %dma_wait3A_76 : memref<1x1x79x128xi32, #tpu.memory_space<hbm>> -> memref<79x128xi32, #tpu.memory_space<hbm>>
      %dma_wait3A_78 = arith.constant 0 : i32
      %dma_wait3A_79 = arith.constant 0 : i32
      %dma_wait3A_80 = tpu.memref_slice %arg4[%arg0, %arg1, %dma_wait3A_78, %dma_wait3A_79] : memref<2x16x79x128xi32, #tpu.memory_space<hbm>> -> memref<1x1x79x128xi32, #tpu.memory_space<hbm>>
      %dma_wait3A_81 = tpu.memref_squeeze %dma_wait3A_80 : memref<1x1x79x128xi32, #tpu.memory_space<hbm>> -> memref<79x128xi32, #tpu.memory_space<hbm>>
      tpu.wait_dma2 semaphore(%run_scoped3A_65 : memref<!tpu.dma_semaphore, #tpu.memory_space<semaphore_mem>>) src(%dma_wait3A_81 : memref<79x128xi32, #tpu.memory_space<hbm>>) dst(%arg8 : memref<79x128xi32, #tpu.memory_space<vmem>>)
      tpu.yield
    }) : () -> ()
    %barrier3A = arith.constant 0 : index
    tpu.barrier barrier_id(%barrier3A)
    %run_scoped3A = arith.constant 0 : i32
    %run_scoped3A_7 = arith.constant 0 : i32
    "tpu.region"() ({
      %run_scoped3A_65 = tpu.sem_alloc : memref<!tpu.dma_semaphore, #tpu.memory_space<semaphore_mem>>
      %dma_start3A_66 = arith.constant 0 : i32
      %dma_start3A_67 = tpu.memref_slice %arg7[%run_scoped3A_7, %dma_start3A_66] : memref<2x128xi32, #tpu.memory_space<vmem>> -> memref<1x128xi32, #tpu.memory_space<vmem>>
      %dma_start3A_68 = tpu.memref_squeeze %dma_start3A_67 : memref<1x128xi32, #tpu.memory_space<vmem>> -> memref<128xi32, #tpu.memory_space<vmem>>
      %dma_start3A_69 = arith.constant 0 : i32
      %dma_start3A_70 = tpu.memref_slice %arg3[%arg0, %arg1, %run_scoped3A, %dma_start3A_69] : memref<2x16x79x128xi32, #tpu.memory_space<hbm>> -> memref<1x1x1x128xi32, #tpu.memory_space<hbm>>
      %dma_start3A_71 = tpu.memref_squeeze %dma_start3A_70 : memref<1x1x1x128xi32, #tpu.memory_space<hbm>> -> memref<128xi32, #tpu.memory_space<hbm>>
      %dma_start3A_72 = arith.constant 0 : i32
      %dma_start3A_73 = tpu.memref_slice %arg7[%run_scoped3A_7, %dma_start3A_72] : memref<2x128xi32, #tpu.memory_space<vmem>> -> memref<1x128xi32, #tpu.memory_space<vmem>>
      %dma_start3A_74 = tpu.memref_squeeze %dma_start3A_73 : memref<1x128xi32, #tpu.memory_space<vmem>> -> memref<128xi32, #tpu.memory_space<vmem>>
      %dma_start3A_75 = arith.constant 0 : i32
      %dma_start3A_76 = tpu.memref_slice %arg3[%arg0, %arg1, %run_scoped3A, %dma_start3A_75] : memref<2x16x79x128xi32, #tpu.memory_space<hbm>> -> memref<1x1x1x128xi32, #tpu.memory_space<hbm>>
      %dma_start3A_77 = tpu.memref_squeeze %dma_start3A_76 : memref<1x1x1x128xi32, #tpu.memory_space<hbm>> -> memref<128xi32, #tpu.memory_space<hbm>>
      tpu.enqueue_dma source(%dma_start3A_77 : memref<128xi32, #tpu.memory_space<hbm>>) target(%dma_start3A_74 : memref<128xi32, #tpu.memory_space<vmem>>) target_semaphore(%run_scoped3A_65 : memref<!tpu.dma_semaphore, #tpu.memory_space<semaphore_mem>>)
      %dma_wait3A_78 = arith.constant 0 : i32
      %dma_wait3A_79 = tpu.memref_slice %arg7[%run_scoped3A_7, %dma_wait3A_78] : memref<2x128xi32, #tpu.memory_space<vmem>> -> memref<1x128xi32, #tpu.memory_space<vmem>>
      %dma_wait3A_80 = tpu.memref_squeeze %dma_wait3A_79 : memref<1x128xi32, #tpu.memory_space<vmem>> -> memref<128xi32, #tpu.memory_space<vmem>>
      %dma_wait3A_81 = arith.constant 0 : i32
      %dma_wait3A_82 = tpu.memref_slice %arg3[%arg0, %arg1, %run_scoped3A, %dma_wait3A_81] : memref<2x16x79x128xi32, #tpu.memory_space<hbm>> -> memref<1x1x1x128xi32, #tpu.memory_space<hbm>>
      %dma_wait3A_83 = tpu.memref_squeeze %dma_wait3A_82 : memref<1x1x1x128xi32, #tpu.memory_space<hbm>> -> memref<128xi32, #tpu.memory_space<hbm>>
      %dma_wait3A_84 = arith.constant 0 : i32
      %dma_wait3A_85 = tpu.memref_slice %arg7[%run_scoped3A_7, %dma_wait3A_84] : memref<2x128xi32, #tpu.memory_space<vmem>> -> memref<1x128xi32, #tpu.memory_space<vmem>>
      %dma_wait3A_86 = tpu.memref_squeeze %dma_wait3A_85 : memref<1x128xi32, #tpu.memory_space<vmem>> -> memref<128xi32, #tpu.memory_space<vmem>>
      %dma_wait3A_87 = arith.constant 0 : i32
      %dma_wait3A_88 = tpu.memref_slice %arg3[%arg0, %arg1, %run_scoped3A, %dma_wait3A_87] : memref<2x16x79x128xi32, #tpu.memory_space<hbm>> -> memref<1x1x1x128xi32, #tpu.memory_space<hbm>>
      %dma_wait3A_89 = tpu.memref_squeeze %dma_wait3A_88 : memref<1x1x1x128xi32, #tpu.memory_space<hbm>> -> memref<128xi32, #tpu.memory_space<hbm>>
      tpu.wait_dma2 semaphore(%run_scoped3A_65 : memref<!tpu.dma_semaphore, #tpu.memory_space<semaphore_mem>>) src(%dma_wait3A_89 : memref<128xi32, #tpu.memory_space<hbm>>) dst(%dma_wait3A_86 : memref<128xi32, #tpu.memory_space<vmem>>)
      tpu.yield
    }) : () -> ()
    %dma_start3A = arith.constant 1 : i32
    %dma_start3A_8 = arith.constant 1 : i32
    %dma_start3A_9 = arith.constant 0 : i32
    %dma_start3A_10 = tpu.memref_slice %arg7[%dma_start3A_8, %dma_start3A_9] : memref<2x128xi32, #tpu.memory_space<vmem>> -> memref<1x128xi32, #tpu.memory_space<vmem>>
    %dma_start3A_11 = tpu.memref_squeeze %dma_start3A_10 : memref<1x128xi32, #tpu.memory_space<vmem>> -> memref<128xi32, #tpu.memory_space<vmem>>
    %dma_start3A_12 = arith.constant 0 : i32
    %dma_start3A_13 = tpu.memref_slice %arg3[%arg0, %arg1, %dma_start3A, %dma_start3A_12] : memref<2x16x79x128xi32, #tpu.memory_space<hbm>> -> memref<1x1x1x128xi32, #tpu.memory_space<hbm>>
    %dma_start3A_14 = tpu.memref_squeeze %dma_start3A_13 : memref<1x1x1x128xi32, #tpu.memory_space<hbm>> -> memref<128xi32, #tpu.memory_space<hbm>>
    %dma_start3A_15 = arith.constant 0 : i32
    %dma_start3A_16 = tpu.memref_slice %arg7[%dma_start3A_8, %dma_start3A_15] : memref<2x128xi32, #tpu.memory_space<vmem>> -> memref<1x128xi32, #tpu.memory_space<vmem>>
    %dma_start3A_17 = tpu.memref_squeeze %dma_start3A_16 : memref<1x128xi32, #tpu.memory_space<vmem>> -> memref<128xi32, #tpu.memory_space<vmem>>
    %dma_start3A_18 = arith.constant 0 : i32
    %dma_start3A_19 = tpu.memref_slice %arg3[%arg0, %arg1, %dma_start3A, %dma_start3A_18] : memref<2x16x79x128xi32, #tpu.memory_space<hbm>> -> memref<1x1x1x128xi32, #tpu.memory_space<hbm>>
    %dma_start3A_20 = tpu.memref_squeeze %dma_start3A_19 : memref<1x1x1x128xi32, #tpu.memory_space<hbm>> -> memref<128xi32, #tpu.memory_space<hbm>>
    tpu.enqueue_dma source(%dma_start3A_20 : memref<128xi32, #tpu.memory_space<hbm>>) target(%dma_start3A_17 : memref<128xi32, #tpu.memory_space<vmem>>) target_semaphore(%arg12 : memref<!tpu.dma_semaphore, #tpu.memory_space<semaphore_mem>>)
    %dma_start3A_21 = arith.constant 0 : i32
    %dma_start3A_22 = arith.constant 0 : i32
    %dma_start3A_23 = arith.constant 0 : i32
    %dma_start3A_24 = arith.constant 0 : i32
    %dma_start3A_25 = tpu.memref_slice %arg9[%dma_start3A_22, %dma_start3A_23, %dma_start3A_24] : memref<2x128x128xf32, #tpu.memory_space<vmem>> -> memref<1x128x128xf32, #tpu.memory_space<vmem>>
    %dma_start3A_26 = tpu.memref_squeeze %dma_start3A_25 : memref<1x128x128xf32, #tpu.memory_space<vmem>> -> memref<128x128xf32, #tpu.memory_space<vmem>>
    %dma_start3A_27 = arith.constant 0 : i32
    %dma_start3A_28 = tpu.memref_slice %arg7[%dma_start3A_21, %dma_start3A_27] : memref<2x128xi32, #tpu.memory_space<vmem>> -> memref<1x128xi32, #tpu.memory_space<vmem>>
    %dma_start3A_29 = tpu.memref_squeeze %dma_start3A_28 : memref<1x128xi32, #tpu.memory_space<vmem>> -> memref<128xi32, #tpu.memory_space<vmem>>
    %dma_start3A_30 = arith.constant 0 : i32
    %dma_start3A_31 = arith.constant 0 : i32
    %dma_start3A_32 = tpu.memref_slice %arg2[%dma_start3A_30, %dma_start3A_31] : memref<10240x128xf32, #tpu.memory_space<hbm>> -> memref<10240x128xf32, #tpu.memory_space<hbm>>
    tpu.enqueue_indirect_dma source(%dma_start3A_32 : memref<10240x128xf32, #tpu.memory_space<hbm>>) target(%dma_start3A_26 : memref<128x128xf32, #tpu.memory_space<vmem>>) offsets(%dma_start3A_29 : memref<128xi32, #tpu.memory_space<vmem>>) semaphore(%arg13 : memref<!tpu.dma_semaphore, #tpu.memory_space<semaphore_mem>>)
    %scan3A = arith.constant 0 : i32
    %scan3A_33 = arith.constant 0 : i32
    %scan3A_34 = arith.constant 40 : i32
    %scan3A_35 = arith.addi %scan3A_33, %scan3A_34 : i32
    %scan3A_36 = arith.constant 1 : i32
    scf.for %scan3A_65 = %scan3A_33 to %scan3A_35 step %scan3A_36  : i32 {
      %mul3A_66 = arith.constant 2 : i32
      %mul3A_67 = arith.muli %scan3A_65, %mul3A_66 : i32
      %add3A = arith.constant 0 : i32
      %add3A_68 = arith.addi %mul3A_67, %add3A : i32
      %lt3A = arith.constant 79 : i32
      %lt3A_69 = arith.cmpi slt, %add3A_68, %lt3A : i32
      %convert_element_type3A_70 = arith.extui %lt3A_69 : i1 to i32
      %cond3A_71 = arith.constant 0 : i32
      %cond3A_72 = arith.cmpi ne, %convert_element_type3A_70, %cond3A_71 : i32
      scf.if %cond3A_72 {
        %add3A_82 = arith.constant 1 : i32
        %add3A_83 = arith.addi %add3A_68, %add3A_82 : i32
        %lt3A_84 = arith.constant 79 : i32
        %lt3A_85 = arith.cmpi slt, %add3A_83, %lt3A_84 : i32
        %convert_element_type3A_86 = arith.extui %lt3A_85 : i1 to i32
        %cond3A_87 = arith.constant 0 : i32
        %cond3A_88 = arith.cmpi ne, %convert_element_type3A_86, %cond3A_87 : i32
        scf.if %cond3A_88 {
          %ge3A = arith.constant 1 : i32
          %ge3A_119 = arith.cmpi sge, %add3A_68, %ge3A : i32
          %convert_element_type3A_120 = arith.extui %ge3A_119 : i1 to i32
          %cond3A_121 = arith.constant 0 : i32
          %cond3A_122 = arith.cmpi ne, %convert_element_type3A_120, %cond3A_121 : i32
          scf.if %cond3A_122 {
            %sub3A = arith.constant 1 : i32
            %sub3A_150 = arith.subi %add3A_68, %sub3A : i32
            %dma_wait3A_151 = arith.constant 1 : i32
            %dma_wait3A_152 = arith.constant 0 : i32
            %dma_wait3A_153 = arith.constant 0 : i32
            %dma_wait3A_154 = tpu.memref_slice %arg9[%dma_wait3A_151, %dma_wait3A_152, %dma_wait3A_153] : memref<2x128x128xf32, #tpu.memory_space<vmem>> -> memref<1x128x128xf32, #tpu.memory_space<vmem>>
            %dma_wait3A_155 = tpu.memref_squeeze %dma_wait3A_154 : memref<1x128x128xf32, #tpu.memory_space<vmem>> -> memref<128x128xf32, #tpu.memory_space<vmem>>
            %dma_wait3A_156 = arith.constant 0 : i32
            %dma_wait3A_157 = tpu.memref_slice %arg8[%sub3A_150, %dma_wait3A_156] : memref<79x128xi32, #tpu.memory_space<vmem>> -> memref<1x128xi32, #tpu.memory_space<vmem>>
            %dma_wait3A_158 = tpu.memref_squeeze %dma_wait3A_157 : memref<1x128xi32, #tpu.memory_space<vmem>> -> memref<128xi32, #tpu.memory_space<vmem>>
            %dma_wait3A_159 = arith.constant 0 : i32
            %dma_wait3A_160 = arith.constant 0 : i32
            %dma_wait3A_161 = tpu.memref_slice %arg10[%dma_wait3A_159, %dma_wait3A_160] : memref<10240x128xf32, #tpu.memory_space<vmem_shared>> -> memref<10240x128xf32, #tpu.memory_space<vmem_shared>>
            tpu.wait_indirect_dma semaphore(%arg16 : memref<!tpu.dma_semaphore, #tpu.memory_space<semaphore_mem>>) src(%dma_wait3A_155 : memref<128x128xf32, #tpu.memory_space<vmem>>) dst(%dma_wait3A_161 : memref<10240x128xf32, #tpu.memory_space<vmem_shared>>)
          } else {
          }
          %add3A_123 = arith.constant 1 : i32
          %add3A_124 = arith.addi %add3A_68, %add3A_123 : i32
          %dma_wait3A_125 = arith.constant 1 : i32
          %dma_wait3A_126 = arith.constant 0 : i32
          %dma_wait3A_127 = tpu.memref_slice %arg7[%dma_wait3A_125, %dma_wait3A_126] : memref<2x128xi32, #tpu.memory_space<vmem>> -> memref<1x128xi32, #tpu.memory_space<vmem>>
          %dma_wait3A_128 = tpu.memref_squeeze %dma_wait3A_127 : memref<1x128xi32, #tpu.memory_space<vmem>> -> memref<128xi32, #tpu.memory_space<vmem>>
          %dma_wait3A_129 = arith.constant 0 : i32
          %dma_wait3A_130 = tpu.memref_slice %arg3[%arg0, %arg1, %add3A_124, %dma_wait3A_129] : memref<2x16x79x128xi32, #tpu.memory_space<hbm>> -> memref<1x1x1x128xi32, #tpu.memory_space<hbm>>
          %dma_wait3A_131 = tpu.memref_squeeze %dma_wait3A_130 : memref<1x1x1x128xi32, #tpu.memory_space<hbm>> -> memref<128xi32, #tpu.memory_space<hbm>>
          %dma_wait3A_132 = arith.constant 0 : i32
          %dma_wait3A_133 = tpu.memref_slice %arg7[%dma_wait3A_125, %dma_wait3A_132] : memref<2x128xi32, #tpu.memory_space<vmem>> -> memref<1x128xi32, #tpu.memory_space<vmem>>
          %dma_wait3A_134 = tpu.memref_squeeze %dma_wait3A_133 : memref<1x128xi32, #tpu.memory_space<vmem>> -> memref<128xi32, #tpu.memory_space<vmem>>
          %dma_wait3A_135 = arith.constant 0 : i32
          %dma_wait3A_136 = tpu.memref_slice %arg3[%arg0, %arg1, %add3A_124, %dma_wait3A_135] : memref<2x16x79x128xi32, #tpu.memory_space<hbm>> -> memref<1x1x1x128xi32, #tpu.memory_space<hbm>>
          %dma_wait3A_137 = tpu.memref_squeeze %dma_wait3A_136 : memref<1x1x1x128xi32, #tpu.memory_space<hbm>> -> memref<128xi32, #tpu.memory_space<hbm>>
          tpu.wait_dma2 semaphore(%arg12 : memref<!tpu.dma_semaphore, #tpu.memory_space<semaphore_mem>>) src(%dma_wait3A_137 : memref<128xi32, #tpu.memory_space<hbm>>) dst(%dma_wait3A_134 : memref<128xi32, #tpu.memory_space<vmem>>)
          %dma_start3A_138 = arith.constant 1 : i32
          %dma_start3A_139 = arith.constant 1 : i32
          %dma_start3A_140 = arith.constant 0 : i32
          %dma_start3A_141 = arith.constant 0 : i32
          %dma_start3A_142 = tpu.memref_slice %arg9[%dma_start3A_139, %dma_start3A_140, %dma_start3A_141] : memref<2x128x128xf32, #tpu.memory_space<vmem>> -> memref<1x128x128xf32, #tpu.memory_space<vmem>>
          %dma_start3A_143 = tpu.memref_squeeze %dma_start3A_142 : memref<1x128x128xf32, #tpu.memory_space<vmem>> -> memref<128x128xf32, #tpu.memory_space<vmem>>
          %dma_start3A_144 = arith.constant 0 : i32
          %dma_start3A_145 = tpu.memref_slice %arg7[%dma_start3A_138, %dma_start3A_144] : memref<2x128xi32, #tpu.memory_space<vmem>> -> memref<1x128xi32, #tpu.memory_space<vmem>>
          %dma_start3A_146 = tpu.memref_squeeze %dma_start3A_145 : memref<1x128xi32, #tpu.memory_space<vmem>> -> memref<128xi32, #tpu.memory_space<vmem>>
          %dma_start3A_147 = arith.constant 0 : i32
          %dma_start3A_148 = arith.constant 0 : i32
          %dma_start3A_149 = tpu.memref_slice %arg2[%dma_start3A_147, %dma_start3A_148] : memref<10240x128xf32, #tpu.memory_space<hbm>> -> memref<10240x128xf32, #tpu.memory_space<hbm>>
          tpu.enqueue_indirect_dma source(%dma_start3A_149 : memref<10240x128xf32, #tpu.memory_space<hbm>>) target(%dma_start3A_143 : memref<128x128xf32, #tpu.memory_space<vmem>>) offsets(%dma_start3A_146 : memref<128xi32, #tpu.memory_space<vmem>>) semaphore(%arg14 : memref<!tpu.dma_semaphore, #tpu.memory_space<semaphore_mem>>)
        } else {
        }
        %dma_wait3A_89 = arith.constant 0 : i32
        %dma_wait3A_90 = arith.constant 0 : i32
        %dma_wait3A_91 = arith.constant 0 : i32
        %dma_wait3A_92 = arith.constant 0 : i32
        %dma_wait3A_93 = tpu.memref_slice %arg9[%dma_wait3A_90, %dma_wait3A_91, %dma_wait3A_92] : memref<2x128x128xf32, #tpu.memory_space<vmem>> -> memref<1x128x128xf32, #tpu.memory_space<vmem>>
        %dma_wait3A_94 = tpu.memref_squeeze %dma_wait3A_93 : memref<1x128x128xf32, #tpu.memory_space<vmem>> -> memref<128x128xf32, #tpu.memory_space<vmem>>
        %dma_wait3A_95 = arith.constant 0 : i32
        %dma_wait3A_96 = tpu.memref_slice %arg7[%dma_wait3A_89, %dma_wait3A_95] : memref<2x128xi32, #tpu.memory_space<vmem>> -> memref<1x128xi32, #tpu.memory_space<vmem>>
        %dma_wait3A_97 = tpu.memref_squeeze %dma_wait3A_96 : memref<1x128xi32, #tpu.memory_space<vmem>> -> memref<128xi32, #tpu.memory_space<vmem>>
        %dma_wait3A_98 = arith.constant 0 : i32
        %dma_wait3A_99 = arith.constant 0 : i32
        %dma_wait3A_100 = tpu.memref_slice %arg2[%dma_wait3A_98, %dma_wait3A_99] : memref<10240x128xf32, #tpu.memory_space<hbm>> -> memref<10240x128xf32, #tpu.memory_space<hbm>>
        tpu.wait_indirect_dma semaphore(%arg13 : memref<!tpu.dma_semaphore, #tpu.memory_space<semaphore_mem>>) src(%dma_wait3A_100 : memref<10240x128xf32, #tpu.memory_space<hbm>>) dst(%dma_wait3A_94 : memref<128x128xf32, #tpu.memory_space<vmem>>)
        %dma_start3A_101 = arith.constant 0 : i32
        %dma_start3A_102 = arith.constant 0 : i32
        %dma_start3A_103 = arith.constant 0 : i32
        %dma_start3A_104 = tpu.memref_slice %arg9[%dma_start3A_101, %dma_start3A_102, %dma_start3A_103] : memref<2x128x128xf32, #tpu.memory_space<vmem>> -> memref<1x128x128xf32, #tpu.memory_space<vmem>>
        %dma_start3A_105 = tpu.memref_squeeze %dma_start3A_104 : memref<1x128x128xf32, #tpu.memory_space<vmem>> -> memref<128x128xf32, #tpu.memory_space<vmem>>
        %dma_start3A_106 = arith.constant 0 : i32
        %dma_start3A_107 = tpu.memref_slice %arg8[%add3A_68, %dma_start3A_106] : memref<79x128xi32, #tpu.memory_space<vmem>> -> memref<1x128xi32, #tpu.memory_space<vmem>>
        %dma_start3A_108 = tpu.memref_squeeze %dma_start3A_107 : memref<1x128xi32, #tpu.memory_space<vmem>> -> memref<128xi32, #tpu.memory_space<vmem>>
        %dma_start3A_109 = arith.constant 0 : i32
        %dma_start3A_110 = arith.constant 0 : i32
        %dma_start3A_111 = tpu.memref_slice %arg10[%dma_start3A_109, %dma_start3A_110] : memref<10240x128xf32, #tpu.memory_space<vmem_shared>> -> memref<10240x128xf32, #tpu.memory_space<vmem_shared>>
        tpu.enqueue_indirect_dma source(%dma_start3A_105 : memref<128x128xf32, #tpu.memory_space<vmem>>) target(%dma_start3A_111 : memref<10240x128xf32, #tpu.memory_space<vmem_shared>>) offsets(%dma_start3A_108 : memref<128xi32, #tpu.memory_space<vmem>>) semaphore(%arg15 : memref<!tpu.dma_semaphore, #tpu.memory_space<semaphore_mem>>) {add = true}
        %add3A_112 = arith.constant 2 : i32
        %add3A_113 = arith.addi %add3A_68, %add3A_112 : i32
        %lt3A_114 = arith.constant 79 : i32
        %lt3A_115 = arith.cmpi slt, %add3A_113, %lt3A_114 : i32
        %convert_element_type3A_116 = arith.extui %lt3A_115 : i1 to i32
        %cond3A_117 = arith.constant 0 : i32
        %cond3A_118 = arith.cmpi ne, %convert_element_type3A_116, %cond3A_117 : i32
        scf.if %cond3A_118 {
          %add3A_119 = arith.constant 2 : i32
          %add3A_120 = arith.addi %add3A_68, %add3A_119 : i32
          %dma_start3A_121 = arith.constant 0 : i32
          %dma_start3A_122 = arith.constant 0 : i32
          %dma_start3A_123 = tpu.memref_slice %arg7[%dma_start3A_121, %dma_start3A_122] : memref<2x128xi32, #tpu.memory_space<vmem>> -> memref<1x128xi32, #tpu.memory_space<vmem>>
          %dma_start3A_124 = tpu.memref_squeeze %dma_start3A_123 : memref<1x128xi32, #tpu.memory_space<vmem>> -> memref<128xi32, #tpu.memory_space<vmem>>
          %dma_start3A_125 = arith.constant 0 : i32
          %dma_start3A_126 = tpu.memref_slice %arg3[%arg0, %arg1, %add3A_120, %dma_start3A_125] : memref<2x16x79x128xi32, #tpu.memory_space<hbm>> -> memref<1x1x1x128xi32, #tpu.memory_space<hbm>>
          %dma_start3A_127 = tpu.memref_squeeze %dma_start3A_126 : memref<1x1x1x128xi32, #tpu.memory_space<hbm>> -> memref<128xi32, #tpu.memory_space<hbm>>
          %dma_start3A_128 = arith.constant 0 : i32
          %dma_start3A_129 = tpu.memref_slice %arg7[%dma_start3A_121, %dma_start3A_128] : memref<2x128xi32, #tpu.memory_space<vmem>> -> memref<1x128xi32, #tpu.memory_space<vmem>>
          %dma_start3A_130 = tpu.memref_squeeze %dma_start3A_129 : memref<1x128xi32, #tpu.memory_space<vmem>> -> memref<128xi32, #tpu.memory_space<vmem>>
          %dma_start3A_131 = arith.constant 0 : i32
          %dma_start3A_132 = tpu.memref_slice %arg3[%arg0, %arg1, %add3A_120, %dma_start3A_131] : memref<2x16x79x128xi32, #tpu.memory_space<hbm>> -> memref<1x1x1x128xi32, #tpu.memory_space<hbm>>
          %dma_start3A_133 = tpu.memref_squeeze %dma_start3A_132 : memref<1x1x1x128xi32, #tpu.memory_space<hbm>> -> memref<128xi32, #tpu.memory_space<hbm>>
          tpu.enqueue_dma source(%dma_start3A_133 : memref<128xi32, #tpu.memory_space<hbm>>) target(%dma_start3A_130 : memref<128xi32, #tpu.memory_space<vmem>>) target_semaphore(%arg11 : memref<!tpu.dma_semaphore, #tpu.memory_space<semaphore_mem>>)
        } else {
        }
      } else {
      }
      %mul3A_73 = arith.constant 2 : i32
      %mul3A_74 = arith.muli %scan3A_65, %mul3A_73 : i32
      %add3A_75 = arith.constant 1 : i32
      %add3A_76 = arith.addi %mul3A_74, %add3A_75 : i32
      %lt3A_77 = arith.constant 79 : i32
      %lt3A_78 = arith.cmpi slt, %add3A_76, %lt3A_77 : i32
      %convert_element_type3A_79 = arith.extui %lt3A_78 : i1 to i32
      %cond3A_80 = arith.constant 0 : i32
      %cond3A_81 = arith.cmpi ne, %convert_element_type3A_79, %cond3A_80 : i32
      scf.if %cond3A_81 {
        %add3A_82 = arith.constant 1 : i32
        %add3A_83 = arith.addi %add3A_76, %add3A_82 : i32
        %lt3A_84 = arith.constant 79 : i32
        %lt3A_85 = arith.cmpi slt, %add3A_83, %lt3A_84 : i32
        %convert_element_type3A_86 = arith.extui %lt3A_85 : i1 to i32
        %cond3A_87 = arith.constant 0 : i32
        %cond3A_88 = arith.cmpi ne, %convert_element_type3A_86, %cond3A_87 : i32
        scf.if %cond3A_88 {
          %ge3A = arith.constant 1 : i32
          %ge3A_119 = arith.cmpi sge, %add3A_76, %ge3A : i32
          %convert_element_type3A_120 = arith.extui %ge3A_119 : i1 to i32
          %cond3A_121 = arith.constant 0 : i32
          %cond3A_122 = arith.cmpi ne, %convert_element_type3A_120, %cond3A_121 : i32
          scf.if %cond3A_122 {
            %sub3A = arith.constant 1 : i32
            %sub3A_150 = arith.subi %add3A_76, %sub3A : i32
            %dma_wait3A_151 = arith.constant 0 : i32
            %dma_wait3A_152 = arith.constant 0 : i32
            %dma_wait3A_153 = arith.constant 0 : i32
            %dma_wait3A_154 = tpu.memref_slice %arg9[%dma_wait3A_151, %dma_wait3A_152, %dma_wait3A_153] : memref<2x128x128xf32, #tpu.memory_space<vmem>> -> memref<1x128x128xf32, #tpu.memory_space<vmem>>
            %dma_wait3A_155 = tpu.memref_squeeze %dma_wait3A_154 : memref<1x128x128xf32, #tpu.memory_space<vmem>> -> memref<128x128xf32, #tpu.memory_space<vmem>>
            %dma_wait3A_156 = arith.constant 0 : i32
            %dma_wait3A_157 = tpu.memref_slice %arg8[%sub3A_150, %dma_wait3A_156] : memref<79x128xi32, #tpu.memory_space<vmem>> -> memref<1x128xi32, #tpu.memory_space<vmem>>
            %dma_wait3A_158 = tpu.memref_squeeze %dma_wait3A_157 : memref<1x128xi32, #tpu.memory_space<vmem>> -> memref<128xi32, #tpu.memory_space<vmem>>
            %dma_wait3A_159 = arith.constant 0 : i32
            %dma_wait3A_160 = arith.constant 0 : i32
            %dma_wait3A_161 = tpu.memref_slice %arg10[%dma_wait3A_159, %dma_wait3A_160] : memref<10240x128xf32, #tpu.memory_space<vmem_shared>> -> memref<10240x128xf32, #tpu.memory_space<vmem_shared>>
            tpu.wait_indirect_dma semaphore(%arg15 : memref<!tpu.dma_semaphore, #tpu.memory_space<semaphore_mem>>) src(%dma_wait3A_155 : memref<128x128xf32, #tpu.memory_space<vmem>>) dst(%dma_wait3A_161 : memref<10240x128xf32, #tpu.memory_space<vmem_shared>>)
          } else {
          }
          %add3A_123 = arith.constant 1 : i32
          %add3A_124 = arith.addi %add3A_76, %add3A_123 : i32
          %dma_wait3A_125 = arith.constant 0 : i32
          %dma_wait3A_126 = arith.constant 0 : i32
          %dma_wait3A_127 = tpu.memref_slice %arg7[%dma_wait3A_125, %dma_wait3A_126] : memref<2x128xi32, #tpu.memory_space<vmem>> -> memref<1x128xi32, #tpu.memory_space<vmem>>
          %dma_wait3A_128 = tpu.memref_squeeze %dma_wait3A_127 : memref<1x128xi32, #tpu.memory_space<vmem>> -> memref<128xi32, #tpu.memory_space<vmem>>
          %dma_wait3A_129 = arith.constant 0 : i32
          %dma_wait3A_130 = tpu.memref_slice %arg3[%arg0, %arg1, %add3A_124, %dma_wait3A_129] : memref<2x16x79x128xi32, #tpu.memory_space<hbm>> -> memref<1x1x1x128xi32, #tpu.memory_space<hbm>>
          %dma_wait3A_131 = tpu.memref_squeeze %dma_wait3A_130 : memref<1x1x1x128xi32, #tpu.memory_space<hbm>> -> memref<128xi32, #tpu.memory_space<hbm>>
          %dma_wait3A_132 = arith.constant 0 : i32
          %dma_wait3A_133 = tpu.memref_slice %arg7[%dma_wait3A_125, %dma_wait3A_132] : memref<2x128xi32, #tpu.memory_space<vmem>> -> memref<1x128xi32, #tpu.memory_space<vmem>>
          %dma_wait3A_134 = tpu.memref_squeeze %dma_wait3A_133 : memref<1x128xi32, #tpu.memory_space<vmem>> -> memref<128xi32, #tpu.memory_space<vmem>>
          %dma_wait3A_135 = arith.constant 0 : i32
          %dma_wait3A_136 = tpu.memref_slice %arg3[%arg0, %arg1, %add3A_124, %dma_wait3A_135] : memref<2x16x79x128xi32, #tpu.memory_space<hbm>> -> memref<1x1x1x128xi32, #tpu.memory_space<hbm>>
          %dma_wait3A_137 = tpu.memref_squeeze %dma_wait3A_136 : memref<1x1x1x128xi32, #tpu.memory_space<hbm>> -> memref<128xi32, #tpu.memory_space<hbm>>
          tpu.wait_dma2 semaphore(%arg11 : memref<!tpu.dma_semaphore, #tpu.memory_space<semaphore_mem>>) src(%dma_wait3A_137 : memref<128xi32, #tpu.memory_space<hbm>>) dst(%dma_wait3A_134 : memref<128xi32, #tpu.memory_space<vmem>>)
          %dma_start3A_138 = arith.constant 0 : i32
          %dma_start3A_139 = arith.constant 0 : i32
          %dma_start3A_140 = arith.constant 0 : i32
          %dma_start3A_141 = arith.constant 0 : i32
          %dma_start3A_142 = tpu.memref_slice %arg9[%dma_start3A_139, %dma_start3A_140, %dma_start3A_141] : memref<2x128x128xf32, #tpu.memory_space<vmem>> -> memref<1x128x128xf32, #tpu.memory_space<vmem>>
          %dma_start3A_143 = tpu.memref_squeeze %dma_start3A_142 : memref<1x128x128xf32, #tpu.memory_space<vmem>> -> memref<128x128xf32, #tpu.memory_space<vmem>>
          %dma_start3A_144 = arith.constant 0 : i32
          %dma_start3A_145 = tpu.memref_slice %arg7[%dma_start3A_138, %dma_start3A_144] : memref<2x128xi32, #tpu.memory_space<vmem>> -> memref<1x128xi32, #tpu.memory_space<vmem>>
          %dma_start3A_146 = tpu.memref_squeeze %dma_start3A_145 : memref<1x128xi32, #tpu.memory_space<vmem>> -> memref<128xi32, #tpu.memory_space<vmem>>
          %dma_start3A_147 = arith.constant 0 : i32
          %dma_start3A_148 = arith.constant 0 : i32
          %dma_start3A_149 = tpu.memref_slice %arg2[%dma_start3A_147, %dma_start3A_148] : memref<10240x128xf32, #tpu.memory_space<hbm>> -> memref<10240x128xf32, #tpu.memory_space<hbm>>
          tpu.enqueue_indirect_dma source(%dma_start3A_149 : memref<10240x128xf32, #tpu.memory_space<hbm>>) target(%dma_start3A_143 : memref<128x128xf32, #tpu.memory_space<vmem>>) offsets(%dma_start3A_146 : memref<128xi32, #tpu.memory_space<vmem>>) semaphore(%arg13 : memref<!tpu.dma_semaphore, #tpu.memory_space<semaphore_mem>>)
        } else {
        }
        %dma_wait3A_89 = arith.constant 1 : i32
        %dma_wait3A_90 = arith.constant 1 : i32
        %dma_wait3A_91 = arith.constant 0 : i32
        %dma_wait3A_92 = arith.constant 0 : i32
        %dma_wait3A_93 = tpu.memref_slice %arg9[%dma_wait3A_90, %dma_wait3A_91, %dma_wait3A_92] : memref<2x128x128xf32, #tpu.memory_space<vmem>> -> memref<1x128x128xf32, #tpu.memory_space<vmem>>
        %dma_wait3A_94 = tpu.memref_squeeze %dma_wait3A_93 : memref<1x128x128xf32, #tpu.memory_space<vmem>> -> memref<128x128xf32, #tpu.memory_space<vmem>>
        %dma_wait3A_95 = arith.constant 0 : i32
        %dma_wait3A_96 = tpu.memref_slice %arg7[%dma_wait3A_89, %dma_wait3A_95] : memref<2x128xi32, #tpu.memory_space<vmem>> -> memref<1x128xi32, #tpu.memory_space<vmem>>
        %dma_wait3A_97 = tpu.memref_squeeze %dma_wait3A_96 : memref<1x128xi32, #tpu.memory_space<vmem>> -> memref<128xi32, #tpu.memory_space<vmem>>
        %dma_wait3A_98 = arith.constant 0 : i32
        %dma_wait3A_99 = arith.constant 0 : i32
        %dma_wait3A_100 = tpu.memref_slice %arg2[%dma_wait3A_98, %dma_wait3A_99] : memref<10240x128xf32, #tpu.memory_space<hbm>> -> memref<10240x128xf32, #tpu.memory_space<hbm>>
        tpu.wait_indirect_dma semaphore(%arg14 : memref<!tpu.dma_semaphore, #tpu.memory_space<semaphore_mem>>) src(%dma_wait3A_100 : memref<10240x128xf32, #tpu.memory_space<hbm>>) dst(%dma_wait3A_94 : memref<128x128xf32, #tpu.memory_space<vmem>>)
        %dma_start3A_101 = arith.constant 1 : i32
        %dma_start3A_102 = arith.constant 0 : i32
        %dma_start3A_103 = arith.constant 0 : i32
        %dma_start3A_104 = tpu.memref_slice %arg9[%dma_start3A_101, %dma_start3A_102, %dma_start3A_103] : memref<2x128x128xf32, #tpu.memory_space<vmem>> -> memref<1x128x128xf32, #tpu.memory_space<vmem>>
        %dma_start3A_105 = tpu.memref_squeeze %dma_start3A_104 : memref<1x128x128xf32, #tpu.memory_space<vmem>> -> memref<128x128xf32, #tpu.memory_space<vmem>>
        %dma_start3A_106 = arith.constant 0 : i32
        %dma_start3A_107 = tpu.memref_slice %arg8[%add3A_76, %dma_start3A_106] : memref<79x128xi32, #tpu.memory_space<vmem>> -> memref<1x128xi32, #tpu.memory_space<vmem>>
        %dma_start3A_108 = tpu.memref_squeeze %dma_start3A_107 : memref<1x128xi32, #tpu.memory_space<vmem>> -> memref<128xi32, #tpu.memory_space<vmem>>
        %dma_start3A_109 = arith.constant 0 : i32
        %dma_start3A_110 = arith.constant 0 : i32
        %dma_start3A_111 = tpu.memref_slice %arg10[%dma_start3A_109, %dma_start3A_110] : memref<10240x128xf32, #tpu.memory_space<vmem_shared>> -> memref<10240x128xf32, #tpu.memory_space<vmem_shared>>
        tpu.enqueue_indirect_dma source(%dma_start3A_105 : memref<128x128xf32, #tpu.memory_space<vmem>>) target(%dma_start3A_111 : memref<10240x128xf32, #tpu.memory_space<vmem_shared>>) offsets(%dma_start3A_108 : memref<128xi32, #tpu.memory_space<vmem>>) semaphore(%arg16 : memref<!tpu.dma_semaphore, #tpu.memory_space<semaphore_mem>>) {add = true}
        %add3A_112 = arith.constant 2 : i32
        %add3A_113 = arith.addi %add3A_76, %add3A_112 : i32
        %lt3A_114 = arith.constant 79 : i32
        %lt3A_115 = arith.cmpi slt, %add3A_113, %lt3A_114 : i32
        %convert_element_type3A_116 = arith.extui %lt3A_115 : i1 to i32
        %cond3A_117 = arith.constant 0 : i32
        %cond3A_118 = arith.cmpi ne, %convert_element_type3A_116, %cond3A_117 : i32
        scf.if %cond3A_118 {
          %add3A_119 = arith.constant 2 : i32
          %add3A_120 = arith.addi %add3A_76, %add3A_119 : i32
          %dma_start3A_121 = arith.constant 1 : i32
          %dma_start3A_122 = arith.constant 0 : i32
          %dma_start3A_123 = tpu.memref_slice %arg7[%dma_start3A_121, %dma_start3A_122] : memref<2x128xi32, #tpu.memory_space<vmem>> -> memref<1x128xi32, #tpu.memory_space<vmem>>
          %dma_start3A_124 = tpu.memref_squeeze %dma_start3A_123 : memref<1x128xi32, #tpu.memory_space<vmem>> -> memref<128xi32, #tpu.memory_space<vmem>>
          %dma_start3A_125 = arith.constant 0 : i32
          %dma_start3A_126 = tpu.memref_slice %arg3[%arg0, %arg1, %add3A_120, %dma_start3A_125] : memref<2x16x79x128xi32, #tpu.memory_space<hbm>> -> memref<1x1x1x128xi32, #tpu.memory_space<hbm>>
          %dma_start3A_127 = tpu.memref_squeeze %dma_start3A_126 : memref<1x1x1x128xi32, #tpu.memory_space<hbm>> -> memref<128xi32, #tpu.memory_space<hbm>>
          %dma_start3A_128 = arith.constant 0 : i32
          %dma_start3A_129 = tpu.memref_slice %arg7[%dma_start3A_121, %dma_start3A_128] : memref<2x128xi32, #tpu.memory_space<vmem>> -> memref<1x128xi32, #tpu.memory_space<vmem>>
          %dma_start3A_130 = tpu.memref_squeeze %dma_start3A_129 : memref<1x128xi32, #tpu.memory_space<vmem>> -> memref<128xi32, #tpu.memory_space<vmem>>
          %dma_start3A_131 = arith.constant 0 : i32
          %dma_start3A_132 = tpu.memref_slice %arg3[%arg0, %arg1, %add3A_120, %dma_start3A_131] : memref<2x16x79x128xi32, #tpu.memory_space<hbm>> -> memref<1x1x1x128xi32, #tpu.memory_space<hbm>>
          %dma_start3A_133 = tpu.memref_squeeze %dma_start3A_132 : memref<1x1x1x128xi32, #tpu.memory_space<hbm>> -> memref<128xi32, #tpu.memory_space<hbm>>
          tpu.enqueue_dma source(%dma_start3A_133 : memref<128xi32, #tpu.memory_space<hbm>>) target(%dma_start3A_130 : memref<128xi32, #tpu.memory_space<vmem>>) target_semaphore(%arg12 : memref<!tpu.dma_semaphore, #tpu.memory_space<semaphore_mem>>)
        } else {
        }
      } else {
      }
    }
    %scan3A_37 = arith.constant 40 : i32
    %dma_wait3A = arith.constant 0 : i32
    %dma_wait3A_38 = arith.constant 78 : i32
    %dma_wait3A_39 = arith.constant 0 : i32
    %dma_wait3A_40 = arith.constant 0 : i32
    %dma_wait3A_41 = tpu.memref_slice %arg9[%dma_wait3A, %dma_wait3A_39, %dma_wait3A_40] : memref<2x128x128xf32, #tpu.memory_space<vmem>> -> memref<1x128x128xf32, #tpu.memory_space<vmem>>
    %dma_wait3A_42 = tpu.memref_squeeze %dma_wait3A_41 : memref<1x128x128xf32, #tpu.memory_space<vmem>> -> memref<128x128xf32, #tpu.memory_space<vmem>>
    %dma_wait3A_43 = arith.constant 0 : i32
    %dma_wait3A_44 = tpu.memref_slice %arg8[%dma_wait3A_38, %dma_wait3A_43] : memref<79x128xi32, #tpu.memory_space<vmem>> -> memref<1x128xi32, #tpu.memory_space<vmem>>
    %dma_wait3A_45 = tpu.memref_squeeze %dma_wait3A_44 : memref<1x128xi32, #tpu.memory_space<vmem>> -> memref<128xi32, #tpu.memory_space<vmem>>
    %dma_wait3A_46 = arith.constant 0 : i32
    %dma_wait3A_47 = arith.constant 0 : i32
    %dma_wait3A_48 = tpu.memref_slice %arg10[%dma_wait3A_46, %dma_wait3A_47] : memref<10240x128xf32, #tpu.memory_space<vmem_shared>> -> memref<10240x128xf32, #tpu.memory_space<vmem_shared>>
    tpu.wait_indirect_dma semaphore(%arg15 : memref<!tpu.dma_semaphore, #tpu.memory_space<semaphore_mem>>) src(%dma_wait3A_42 : memref<128x128xf32, #tpu.memory_space<vmem>>) dst(%dma_wait3A_48 : memref<10240x128xf32, #tpu.memory_space<vmem_shared>>)
    %dma_wait3A_49 = arith.constant 1 : i32
    %dma_wait3A_50 = arith.constant 77 : i32
    %dma_wait3A_51 = arith.constant 0 : i32
    %dma_wait3A_52 = arith.constant 0 : i32
    %dma_wait3A_53 = tpu.memref_slice %arg9[%dma_wait3A_49, %dma_wait3A_51, %dma_wait3A_52] : memref<2x128x128xf32, #tpu.memory_space<vmem>> -> memref<1x128x128xf32, #tpu.memory_space<vmem>>
    %dma_wait3A_54 = tpu.memref_squeeze %dma_wait3A_53 : memref<1x128x128xf32, #tpu.memory_space<vmem>> -> memref<128x128xf32, #tpu.memory_space<vmem>>
    %dma_wait3A_55 = arith.constant 0 : i32
    %dma_wait3A_56 = tpu.memref_slice %arg8[%dma_wait3A_50, %dma_wait3A_55] : memref<79x128xi32, #tpu.memory_space<vmem>> -> memref<1x128xi32, #tpu.memory_space<vmem>>
    %dma_wait3A_57 = tpu.memref_squeeze %dma_wait3A_56 : memref<1x128xi32, #tpu.memory_space<vmem>> -> memref<128xi32, #tpu.memory_space<vmem>>
    %dma_wait3A_58 = arith.constant 0 : i32
    %dma_wait3A_59 = arith.constant 0 : i32
    %dma_wait3A_60 = tpu.memref_slice %arg10[%dma_wait3A_58, %dma_wait3A_59] : memref<10240x128xf32, #tpu.memory_space<vmem_shared>> -> memref<10240x128xf32, #tpu.memory_space<vmem_shared>>
    tpu.wait_indirect_dma semaphore(%arg16 : memref<!tpu.dma_semaphore, #tpu.memory_space<semaphore_mem>>) src(%dma_wait3A_54 : memref<128x128xf32, #tpu.memory_space<vmem>>) dst(%dma_wait3A_60 : memref<10240x128xf32, #tpu.memory_space<vmem_shared>>)
    %barrier3A_61 = arith.constant 0 : index
    tpu.barrier barrier_id(%barrier3A_61)
    %mul3A = arith.constant 640 : i32
    %mul3A_62 = arith.muli %arg1, %mul3A : i32
    %mul3A_63 = arith.constant 640 : i32
    %mul3A_64 = arith.muli %arg1, %mul3A_63 : i32
    "tpu.region"() ({
      %run_scoped3A_65 = tpu.sem_alloc : memref<!tpu.dma_semaphore, #tpu.memory_space<semaphore_mem>>
      %dma_start3A_66 = arith.constant 0 : i32
      %dma_start3A_67 = tpu.memref_slice %arg6[%arg0, %mul3A_64, %dma_start3A_66] : memref<2x10240x128xf32, #tpu.memory_space<hbm>> -> memref<1x640x128xf32, #tpu.memory_space<hbm>>
      %dma_start3A_68 = tpu.memref_squeeze %dma_start3A_67 : memref<1x640x128xf32, #tpu.memory_space<hbm>> -> memref<640x128xf32, #tpu.memory_space<hbm>>
      %dma_start3A_69 = arith.constant 0 : i32
      %dma_start3A_70 = tpu.memref_slice %arg10[%mul3A_62, %dma_start3A_69] : memref<10240x128xf32, #tpu.memory_space<vmem_shared>> -> memref<640x128xf32, #tpu.memory_space<vmem_shared>>
      tpu.enqueue_dma source(%dma_start3A_70 : memref<640x128xf32, #tpu.memory_space<vmem_shared>>) target(%dma_start3A_68 : memref<640x128xf32, #tpu.memory_space<hbm>>) target_semaphore(%run_scoped3A_65 : memref<!tpu.dma_semaphore, #tpu.memory_space<semaphore_mem>>)
      %dma_wait3A_71 = arith.constant 0 : i32
      %dma_wait3A_72 = tpu.memref_slice %arg6[%arg0, %mul3A_64, %dma_wait3A_71] : memref<2x10240x128xf32, #tpu.memory_space<hbm>> -> memref<1x640x128xf32, #tpu.memory_space<hbm>>
      %dma_wait3A_73 = tpu.memref_squeeze %dma_wait3A_72 : memref<1x640x128xf32, #tpu.memory_space<hbm>> -> memref<640x128xf32, #tpu.memory_space<hbm>>
      %dma_wait3A_74 = arith.constant 0 : i32
      %dma_wait3A_75 = tpu.memref_slice %arg10[%mul3A_62, %dma_wait3A_74] : memref<10240x128xf32, #tpu.memory_space<vmem_shared>> -> memref<640x128xf32, #tpu.memory_space<vmem_shared>>
      tpu.wait_dma2 semaphore(%run_scoped3A_65 : memref<!tpu.dma_semaphore, #tpu.memory_space<semaphore_mem>>) src(%dma_wait3A_75 : memref<640x128xf32, #tpu.memory_space<vmem_shared>>) dst(%dma_wait3A_73 : memref<640x128xf32, #tpu.memory_space<hbm>>)
      tpu.yield
    }) : () -> ()
    return
  }
}

module attributes {stable_mosaic.version = 14 : i64} {
  func.func @_tc1_body(%arg0: i32, %arg1: memref<512x128xf32, #tpu.memory_space<vmem>>, %arg2: memref<128x128xf32, #tpu.memory_space<vmem>>, %arg3: memref<2x16x512xf32, #tpu.memory_space<vmem>>, %arg4: memref<512x128xf32, #tpu.memory_space<vmem>>) attributes {dimension_semantics = [#tpu.dimension_semantics<arbitrary>], iteration_bounds = array<i64: 20>, scalar_prefetch = 0 : i64, scratch_operands = 0 : i64, tpu.core_type = #tpu.core_type<tc>, window_params = [{transform_indices = @transform_0, window_bounds = array<i64: 512, 128>}, {pipeline_mode = #tpu.pipeline_mode<synchronous>, transform_indices = @transform_1, window_bounds = array<i64: 128, 128>}, {transform_indices = @transform_2, window_bounds = array<i64: 2, 16, 512>}, {transform_indices = @transform_3, window_bounds = array<i64: 512, 128>}]} {
    %get3A = arith.constant 0 : index
    %get3A_0 = arith.constant 0 : index
    %get3A_1 = arith.constant 0 : index
    %get3A_2 = vector.load %arg3[%get3A, %get3A_0, %get3A_1] : memref<2x16x512xf32, #tpu.memory_space<vmem>>, vector<1x16x512xf32>
    %get3A_3 = vector.shape_cast %get3A_2 : vector<1x16x512xf32> to vector<16x512xf32>
    %get3A_4 = arith.constant 1 : index
    %get3A_5 = arith.constant 0 : index
    %get3A_6 = arith.constant 0 : index
    %get3A_7 = vector.load %arg3[%get3A_4, %get3A_5, %get3A_6] : memref<2x16x512xf32, #tpu.memory_space<vmem>>, vector<1x16x512xf32>
    %get3A_8 = vector.shape_cast %get3A_7 : vector<1x16x512xf32> to vector<16x512xf32>
    %add3A = arith.addf %get3A_3, %get3A_8 : vector<16x512xf32>
    %reduce_sum3A = arith.constant dense<0.000000e+00> : vector<512xf32>
    %reduce_sum3A_9 = vector.multi_reduction <add>, %add3A, %reduce_sum3A [0] : vector<16x512xf32> to vector<512xf32>
    %add3A_10 = arith.constant 1.000000e+00 : f32
    %add3A_11 = vector.broadcast %add3A_10 : f32 to vector<512xf32>
    %add3A_12 = arith.addf %reduce_sum3A_9, %add3A_11 : vector<512xf32>
    %rsqrt3A = math.rsqrt %add3A_12 : vector<512xf32>
    %broadcast_in_dim3A = vector.shape_cast %rsqrt3A : vector<512xf32> to vector<512x1xf32>
    %get3A_13 = arith.constant 0 : index
    %get3A_14 = arith.constant 0 : index
    %get3A_15 = vector.load %arg1[%get3A_13, %get3A_14] : memref<512x128xf32, #tpu.memory_space<vmem>>, vector<512x128xf32>
    %get3A_16 = arith.constant 0 : index
    %get3A_17 = arith.constant 0 : index
    %get3A_18 = vector.load %arg2[%get3A_16, %get3A_17] : memref<128x128xf32, #tpu.memory_space<vmem>>, vector<128x128xf32>
    %dot_general3A = arith.constant dense<0.000000e+00> : vector<512x128xf32>
    %dot_general3A_19 = tpu.matmul %get3A_15, %get3A_18, %dot_general3A {dimension_numbers = #tpu.dot_dimension_numbers<[1], [0], [0], [1], [0, 0, 1, 1], [], []>, transpose_lhs_hint = false} : vector<512x128xf32>, vector<128x128xf32>, vector<512x128xf32> -> vector<512x128xf32>
    %mul3A = vector.broadcast %broadcast_in_dim3A : vector<512x1xf32> to vector<512x128xf32>
    %mul3A_20 = arith.mulf %dot_general3A_19, %mul3A : vector<512x128xf32>
    %swap3A = arith.constant 0 : index
    %swap3A_21 = arith.constant 0 : index
    %swap3A_22 = vector.load %arg4[%swap3A, %swap3A_21] : memref<512x128xf32, #tpu.memory_space<vmem>>, vector<512x128xf32>
    tpu.vector_store %arg4[%swap3A, %swap3A_21], %mul3A_20 {strides = array<i32>} : memref<512x128xf32, #tpu.memory_space<vmem>>, vector<512x128xf32>,
    return
  }
  func.func @transform_0(%arg0: i32) -> (i32, i32) {
    %c0_i32 = arith.constant 0 : i32
    %c0_i32_0 = arith.constant 0 : i32
    return %arg0, %c0_i32 : i32, i32
  }
  func.func @transform_1(%arg0: i32) -> (i32, i32) {
    %c0_i32 = arith.constant 0 : i32
    %c0_i32_0 = arith.constant 0 : i32
    %c0_i32_1 = arith.constant 0 : i32
    return %c0_i32, %c0_i32_0 : i32, i32
  }
  func.func @transform_2(%arg0: i32) -> (i32, i32, i32) {
    %c0_i32 = arith.constant 0 : i32
    %c0_i32_0 = arith.constant 0 : i32
    %c0_i32_1 = arith.constant 0 : i32
    return %c0_i32, %c0_i32_0, %arg0 : i32, i32, i32
  }
  func.func @transform_3(%arg0: i32) -> (i32, i32) {
    %c0_i32 = arith.constant 0 : i32
    %c0_i32_0 = arith.constant 0 : i32
    return %arg0, %c0_i32 : i32, i32
  }
}

module attributes {stable_mosaic.version = 14 : i64} {
  func.func @_tc2_body(%arg0: i32, %arg1: memref<2x512x128xf32, #tpu.memory_space<vmem>>, %arg2: memref<2x16x512xf32, #tpu.memory_space<vmem>>, %arg3: memref<1x128xf32, #tpu.memory_space<vmem>>, %arg4: memref<128x128xf32, #tpu.memory_space<vmem>>, %arg5: memref<512x128xf32, #tpu.memory_space<vmem>>) attributes {dimension_semantics = [#tpu.dimension_semantics<arbitrary>], iteration_bounds = array<i64: 20>, scalar_prefetch = 0 : i64, scratch_operands = 0 : i64, tpu.core_type = #tpu.core_type<tc>, window_params = [{transform_indices = @transform_0, window_bounds = array<i64: 2, 512, 128>}, {transform_indices = @transform_1, window_bounds = array<i64: 2, 16, 512>}, {pipeline_mode = #tpu.pipeline_mode<synchronous>, transform_indices = @transform_2, window_bounds = array<i64: 1, 128>}, {pipeline_mode = #tpu.pipeline_mode<synchronous>, transform_indices = @transform_3, window_bounds = array<i64: 128, 128>}, {transform_indices = @transform_4, window_bounds = array<i64: 512, 128>}]} {
    %get3A = arith.constant 0 : index
    %get3A_0 = arith.constant 0 : index
    %get3A_1 = arith.constant 0 : index
    %get3A_2 = vector.load %arg2[%get3A, %get3A_0, %get3A_1] : memref<2x16x512xf32, #tpu.memory_space<vmem>>, vector<1x16x512xf32>
    %get3A_3 = vector.shape_cast %get3A_2 : vector<1x16x512xf32> to vector<16x512xf32>
    %get3A_4 = arith.constant 1 : index
    %get3A_5 = arith.constant 0 : index
    %get3A_6 = arith.constant 0 : index
    %get3A_7 = vector.load %arg2[%get3A_4, %get3A_5, %get3A_6] : memref<2x16x512xf32, #tpu.memory_space<vmem>>, vector<1x16x512xf32>
    %get3A_8 = vector.shape_cast %get3A_7 : vector<1x16x512xf32> to vector<16x512xf32>
    %add3A = arith.addf %get3A_3, %get3A_8 : vector<16x512xf32>
    %reduce_sum3A = arith.constant dense<0.000000e+00> : vector<512xf32>
    %reduce_sum3A_9 = vector.multi_reduction <add>, %add3A, %reduce_sum3A [0] : vector<16x512xf32> to vector<512xf32>
    %add3A_10 = arith.constant 1.000000e+00 : f32
    %add3A_11 = vector.broadcast %add3A_10 : f32 to vector<512xf32>
    %add3A_12 = arith.addf %reduce_sum3A_9, %add3A_11 : vector<512xf32>
    %rsqrt3A = math.rsqrt %add3A_12 : vector<512xf32>
    %broadcast_in_dim3A = vector.shape_cast %rsqrt3A : vector<512xf32> to vector<512x1xf32>
    %get3A_13 = arith.constant 0 : index
    %get3A_14 = arith.constant 0 : index
    %get3A_15 = arith.constant 0 : index
    %get3A_16 = vector.load %arg1[%get3A_13, %get3A_14, %get3A_15] : memref<2x512x128xf32, #tpu.memory_space<vmem>>, vector<1x512x128xf32>
    %get3A_17 = vector.shape_cast %get3A_16 : vector<1x512x128xf32> to vector<512x128xf32>
    %get3A_18 = arith.constant 1 : index
    %get3A_19 = arith.constant 0 : index
    %get3A_20 = arith.constant 0 : index
    %get3A_21 = vector.load %arg1[%get3A_18, %get3A_19, %get3A_20] : memref<2x512x128xf32, #tpu.memory_space<vmem>>, vector<1x512x128xf32>
    %get3A_22 = vector.shape_cast %get3A_21 : vector<1x512x128xf32> to vector<512x128xf32>
    %add3A_23 = arith.addf %get3A_17, %get3A_22 : vector<512x128xf32>
    %mul3A = vector.broadcast %broadcast_in_dim3A : vector<512x1xf32> to vector<512x128xf32>
    %mul3A_24 = arith.mulf %add3A_23, %mul3A : vector<512x128xf32>
    %get3A_25 = arith.constant 0 : index
    %get3A_26 = arith.constant 0 : index
    %get3A_27 = vector.load %arg3[%get3A_25, %get3A_26] : memref<1x128xf32, #tpu.memory_space<vmem>>, vector<1x128xf32>
    %add3A_28 = vector.broadcast %get3A_27 : vector<1x128xf32> to vector<512x128xf32>
    %add3A_29 = arith.addf %mul3A_24, %add3A_28 : vector<512x128xf32>
    %max3A = arith.constant 0.000000e+00 : f32
    %max3A_30 = vector.broadcast %max3A : f32 to vector<512x128xf32>
    %max3A_31 = arith.maximumf %add3A_29, %max3A_30 : vector<512x128xf32>
    %get3A_32 = arith.constant 0 : index
    %get3A_33 = arith.constant 0 : index
    %get3A_34 = vector.load %arg4[%get3A_32, %get3A_33] : memref<128x128xf32, #tpu.memory_space<vmem>>, vector<128x128xf32>
    %dot_general3A = arith.constant dense<0.000000e+00> : vector<512x128xf32>
    %dot_general3A_35 = tpu.matmul %max3A_31, %get3A_34, %dot_general3A {dimension_numbers = #tpu.dot_dimension_numbers<[1], [0], [0], [1], [0, 0, 1, 1], [], []>, transpose_lhs_hint = false} : vector<512x128xf32>, vector<128x128xf32>, vector<512x128xf32> -> vector<512x128xf32>
    %mul3A_36 = vector.broadcast %broadcast_in_dim3A : vector<512x1xf32> to vector<512x128xf32>
    %mul3A_37 = arith.mulf %dot_general3A_35, %mul3A_36 : vector<512x128xf32>
    %swap3A = arith.constant 0 : index
    %swap3A_38 = arith.constant 0 : index
    %swap3A_39 = vector.load %arg5[%swap3A, %swap3A_38] : memref<512x128xf32, #tpu.memory_space<vmem>>, vector<512x128xf32>
    tpu.vector_store %arg5[%swap3A, %swap3A_38], %mul3A_37 {strides = array<i32>} : memref<512x128xf32, #tpu.memory_space<vmem>>, vector<512x128xf32>,
    return
  }
  func.func @transform_0(%arg0: i32) -> (i32, i32, i32) {
    %c0_i32 = arith.constant 0 : i32
    %c0_i32_0 = arith.constant 0 : i32
    %c0_i32_1 = arith.constant 0 : i32
    return %c0_i32, %arg0, %c0_i32_0 : i32, i32, i32
  }
  func.func @transform_1(%arg0: i32) -> (i32, i32, i32) {
    %c0_i32 = arith.constant 0 : i32
    %c0_i32_0 = arith.constant 0 : i32
    %c0_i32_1 = arith.constant 0 : i32
    return %c0_i32, %c0_i32_0, %arg0 : i32, i32, i32
  }
  func.func @transform_2(%arg0: i32) -> (i32, i32) {
    %c0_i32 = arith.constant 0 : i32
    %c0_i32_0 = arith.constant 0 : i32
    %c0_i32_1 = arith.constant 0 : i32
    return %c0_i32, %c0_i32_0 : i32, i32
  }
  func.func @transform_3(%arg0: i32) -> (i32, i32) {
    %c0_i32 = arith.constant 0 : i32
    %c0_i32_0 = arith.constant 0 : i32
    %c0_i32_1 = arith.constant 0 : i32
    return %c0_i32, %c0_i32_0 : i32, i32
  }
  func.func @transform_4(%arg0: i32) -> (i32, i32) {
    %c0_i32 = arith.constant 0 : i32
    %c0_i32_0 = arith.constant 0 : i32
    return %arg0, %c0_i32 : i32, i32
  }
}

module attributes {stable_mosaic.version = 14 : i64} {
  func.func @_tc3_body(%arg0: i32, %arg1: memref<2x512x128xf32, #tpu.memory_space<vmem>>, %arg2: memref<2x16x512xf32, #tpu.memory_space<vmem>>, %arg3: memref<1x128xf32, #tpu.memory_space<vmem>>, %arg4: memref<1x1x512xi32, #tpu.memory_space<vmem>>, %arg5: memref<64x128xf32, #tpu.memory_space<vmem>>, %arg6: memref<64x128xf32, #tpu.memory_space<vmem>>, %arg7: memref<64x128xf32, #tpu.memory_space<vmem>>) attributes {dimension_semantics = [#tpu.dimension_semantics<arbitrary>], iteration_bounds = array<i64: 20>, scalar_prefetch = 0 : i64, scratch_operands = 2 : i64, tpu.core_type = #tpu.core_type<tc>, window_params = [{transform_indices = @transform_0, window_bounds = array<i64: 2, 512, 128>}, {transform_indices = @transform_1, window_bounds = array<i64: 2, 16, 512>}, {pipeline_mode = #tpu.pipeline_mode<synchronous>, transform_indices = @transform_2, window_bounds = array<i64: 1, 128>}, {transform_indices = @transform_3, window_bounds = array<i64: 1, 1, 512>}, {pipeline_mode = #tpu.pipeline_mode<synchronous>, transform_indices = @transform_4, window_bounds = array<i64: 64, 128>}]} {
    %eq3A = arith.constant 0 : i32
    %eq3A_0 = arith.cmpi eq, %arg0, %eq3A : i32
    %convert_element_type3A = arith.extui %eq3A_0 : i1 to i32
    %cond3A = arith.constant 0 : i32
    %cond3A_1 = arith.cmpi ne, %convert_element_type3A, %cond3A : i32
    scf.if %cond3A_1 {
      %broadcast_in_dim3A_67 = arith.constant 0.000000e+00 : f32
      %broadcast_in_dim3A_68 = vector.broadcast %broadcast_in_dim3A_67 : f32 to vector<64x128xf32>
      %swap3A_69 = arith.constant 0 : index
      %swap3A_70 = arith.constant 0 : index
      %swap3A_71 = vector.load %arg6[%swap3A_69, %swap3A_70] : memref<64x128xf32, #tpu.memory_space<vmem>>, vector<64x128xf32>
      tpu.vector_store %arg6[%swap3A_69, %swap3A_70], %broadcast_in_dim3A_68 {strides = array<i32>} : memref<64x128xf32, #tpu.memory_space<vmem>>, vector<64x128xf32>,
      %broadcast_in_dim3A_72 = arith.constant 0.000000e+00 : f32
      %broadcast_in_dim3A_73 = vector.broadcast %broadcast_in_dim3A_72 : f32 to vector<64x128xf32>
      %swap3A_74 = arith.constant 0 : index
      %swap3A_75 = arith.constant 0 : index
      %swap3A_76 = vector.load %arg7[%swap3A_74, %swap3A_75] : memref<64x128xf32, #tpu.memory_space<vmem>>, vector<64x128xf32>
      tpu.vector_store %arg7[%swap3A_74, %swap3A_75], %broadcast_in_dim3A_73 {strides = array<i32>} : memref<64x128xf32, #tpu.memory_space<vmem>>, vector<64x128xf32>,
    } else {
    }
    %get3A = arith.constant 0 : index
    %get3A_2 = arith.constant 0 : index
    %get3A_3 = arith.constant 0 : index
    %get3A_4 = vector.load %arg2[%get3A, %get3A_2, %get3A_3] : memref<2x16x512xf32, #tpu.memory_space<vmem>>, vector<1x16x512xf32>
    %get3A_5 = vector.shape_cast %get3A_4 : vector<1x16x512xf32> to vector<16x512xf32>
    %get3A_6 = arith.constant 1 : index
    %get3A_7 = arith.constant 0 : index
    %get3A_8 = arith.constant 0 : index
    %get3A_9 = vector.load %arg2[%get3A_6, %get3A_7, %get3A_8] : memref<2x16x512xf32, #tpu.memory_space<vmem>>, vector<1x16x512xf32>
    %get3A_10 = vector.shape_cast %get3A_9 : vector<1x16x512xf32> to vector<16x512xf32>
    %add3A = arith.addf %get3A_5, %get3A_10 : vector<16x512xf32>
    %reduce_sum3A = arith.constant dense<0.000000e+00> : vector<512xf32>
    %reduce_sum3A_11 = vector.multi_reduction <add>, %add3A, %reduce_sum3A [0] : vector<16x512xf32> to vector<512xf32>
    %add3A_12 = arith.constant 1.000000e+00 : f32
    %add3A_13 = vector.broadcast %add3A_12 : f32 to vector<512xf32>
    %add3A_14 = arith.addf %reduce_sum3A_11, %add3A_13 : vector<512xf32>
    %rsqrt3A = math.rsqrt %add3A_14 : vector<512xf32>
    %broadcast_in_dim3A = vector.shape_cast %rsqrt3A : vector<512xf32> to vector<512x1xf32>
    %get3A_15 = arith.constant 0 : index
    %get3A_16 = arith.constant 0 : index
    %get3A_17 = arith.constant 0 : index
    %get3A_18 = vector.load %arg1[%get3A_15, %get3A_16, %get3A_17] : memref<2x512x128xf32, #tpu.memory_space<vmem>>, vector<1x512x128xf32>
    %get3A_19 = vector.shape_cast %get3A_18 : vector<1x512x128xf32> to vector<512x128xf32>
    %get3A_20 = arith.constant 1 : index
    %get3A_21 = arith.constant 0 : index
    %get3A_22 = arith.constant 0 : index
    %get3A_23 = vector.load %arg1[%get3A_20, %get3A_21, %get3A_22] : memref<2x512x128xf32, #tpu.memory_space<vmem>>, vector<1x512x128xf32>
    %get3A_24 = vector.shape_cast %get3A_23 : vector<1x512x128xf32> to vector<512x128xf32>
    %add3A_25 = arith.addf %get3A_19, %get3A_24 : vector<512x128xf32>
    %mul3A = vector.broadcast %broadcast_in_dim3A : vector<512x1xf32> to vector<512x128xf32>
    %mul3A_26 = arith.mulf %add3A_25, %mul3A : vector<512x128xf32>
    %get3A_27 = arith.constant 0 : index
    %get3A_28 = arith.constant 0 : index
    %get3A_29 = vector.load %arg3[%get3A_27, %get3A_28] : memref<1x128xf32, #tpu.memory_space<vmem>>, vector<1x128xf32>
    %add3A_30 = vector.broadcast %get3A_29 : vector<1x128xf32> to vector<512x128xf32>
    %add3A_31 = arith.addf %mul3A_26, %add3A_30 : vector<512x128xf32>
    %max3A = arith.constant 0.000000e+00 : f32
    %max3A_32 = vector.broadcast %max3A : f32 to vector<512x128xf32>
    %max3A_33 = arith.maximumf %add3A_31, %max3A_32 : vector<512x128xf32>
    %get3A_34 = arith.constant 0 : index
    %get3A_35 = arith.constant 0 : index
    %get3A_36 = arith.constant 0 : index
    %get3A_37 = vector.load %arg4[%get3A_34, %get3A_35, %get3A_36] : memref<1x1x512xi32, #tpu.memory_space<vmem>>, vector<1x1x512xi32>
    %get3A_38 = vector.shape_cast %get3A_37 : vector<1x1x512xi32> to vector<512xi32>
    %broadcast_in_dim3A_39 = vector.shape_cast %get3A_38 : vector<512xi32> to vector<512x1xi32>
    %iota3A = tpu.iota {dimensions = array<i32: 1>} : vector<512x64xi32>
    %eq3A_40 = vector.broadcast %broadcast_in_dim3A_39 : vector<512x1xi32> to vector<512x64xi32>
    %eq3A_41 = arith.cmpi eq, %eq3A_40, %iota3A : vector<512x64xi32>
    %convert_element_type3A_42 = arith.extui %eq3A_41 : vector<512x64xi1> to vector<512x64xi32>
    %convert_element_type3A_43 = arith.sitofp %convert_element_type3A_42 : vector<512x64xi32> to vector<512x64xf32>
    %get3A_44 = arith.constant 0 : index
    %get3A_45 = arith.constant 0 : index
    %get3A_46 = vector.load %arg6[%get3A_44, %get3A_45] : memref<64x128xf32, #tpu.memory_space<vmem>>, vector<64x128xf32>
    %dot_general3A = arith.constant dense<0.000000e+00> : vector<64x128xf32>
    %dot_general3A_47 = tpu.matmul %convert_element_type3A_43, %max3A_33, %dot_general3A {dimension_numbers = #tpu.dot_dimension_numbers<[0], [0], [1], [1], [0, 1, 1, 1], [], []>, transpose_lhs_hint = false} : vector<512x64xf32>, vector<512x128xf32>, vector<64x128xf32> -> vector<64x128xf32>
    %add3A_48 = arith.addf %get3A_46, %dot_general3A_47 : vector<64x128xf32>
    %swap3A = arith.constant 0 : index
    %swap3A_49 = arith.constant 0 : index
    %swap3A_50 = vector.load %arg6[%swap3A, %swap3A_49] : memref<64x128xf32, #tpu.memory_space<vmem>>, vector<64x128xf32>
    tpu.vector_store %arg6[%swap3A, %swap3A_49], %add3A_48 {strides = array<i32>} : memref<64x128xf32, #tpu.memory_space<vmem>>, vector<64x128xf32>,
    %get3A_51 = arith.constant 0 : index
    %get3A_52 = arith.constant 0 : index
    %get3A_53 = vector.load %arg7[%get3A_51, %get3A_52] : memref<64x128xf32, #tpu.memory_space<vmem>>, vector<64x128xf32>
    %broadcast_in_dim3A_54 = arith.constant 1.000000e+00 : f32
    %broadcast_in_dim3A_55 = vector.broadcast %broadcast_in_dim3A_54 : f32 to vector<512x128xf32>
    %dot_general3A_56 = arith.constant dense<0.000000e+00> : vector<64x128xf32>
    %dot_general3A_57 = tpu.matmul %convert_element_type3A_43, %broadcast_in_dim3A_55, %dot_general3A_56 {dimension_numbers = #tpu.dot_dimension_numbers<[0], [0], [1], [1], [0, 1, 1, 1], [], []>, transpose_lhs_hint = false} : vector<512x64xf32>, vector<512x128xf32>, vector<64x128xf32> -> vector<64x128xf32>
    %add3A_58 = arith.addf %get3A_53, %dot_general3A_57 : vector<64x128xf32>
    %swap3A_59 = arith.constant 0 : index
    %swap3A_60 = arith.constant 0 : index
    %swap3A_61 = vector.load %arg7[%swap3A_59, %swap3A_60] : memref<64x128xf32, #tpu.memory_space<vmem>>, vector<64x128xf32>
    tpu.vector_store %arg7[%swap3A_59, %swap3A_60], %add3A_58 {strides = array<i32>} : memref<64x128xf32, #tpu.memory_space<vmem>>, vector<64x128xf32>,
    %eq3A_62 = arith.constant 19 : i32
    %eq3A_63 = arith.cmpi eq, %arg0, %eq3A_62 : i32
    %convert_element_type3A_64 = arith.extui %eq3A_63 : i1 to i32
    %cond3A_65 = arith.constant 0 : i32
    %cond3A_66 = arith.cmpi ne, %convert_element_type3A_64, %cond3A_65 : i32
    scf.if %cond3A_66 {
      %get3A_67 = arith.constant 0 : index
      %get3A_68 = arith.constant 0 : index
      %get3A_69 = vector.load %arg6[%get3A_67, %get3A_68] : memref<64x128xf32, #tpu.memory_space<vmem>>, vector<64x128xf32>
      %get3A_70 = arith.constant 0 : index
      %get3A_71 = arith.constant 0 : index
      %get3A_72 = vector.load %arg7[%get3A_70, %get3A_71] : memref<64x128xf32, #tpu.memory_space<vmem>>, vector<64x128xf32>
      %max3A_73 = arith.constant 1.000000e+00 : f32
      %max3A_74 = vector.broadcast %max3A_73 : f32 to vector<64x128xf32>
      %max3A_75 = arith.maximumf %get3A_72, %max3A_74 : vector<64x128xf32>
      %div3A = arith.divf %get3A_69, %max3A_75 : vector<64x128xf32>
      %swap3A_76 = arith.constant 0 : index
      %swap3A_77 = arith.constant 0 : index
      %swap3A_78 = vector.load %arg5[%swap3A_76, %swap3A_77] : memref<64x128xf32, #tpu.memory_space<vmem>>, vector<64x128xf32>
      tpu.vector_store %arg5[%swap3A_76, %swap3A_77], %div3A {strides = array<i32>} : memref<64x128xf32, #tpu.memory_space<vmem>>, vector<64x128xf32>,
    } else {
    }
    return
  }
  func.func @transform_0(%arg0: i32) -> (i32, i32, i32) {
    %c0_i32 = arith.constant 0 : i32
    %c0_i32_0 = arith.constant 0 : i32
    %c0_i32_1 = arith.constant 0 : i32
    return %c0_i32, %arg0, %c0_i32_0 : i32, i32, i32
  }
  func.func @transform_1(%arg0: i32) -> (i32, i32, i32) {
    %c0_i32 = arith.constant 0 : i32
    %c0_i32_0 = arith.constant 0 : i32
    %c0_i32_1 = arith.constant 0 : i32
    return %c0_i32, %c0_i32_0, %arg0 : i32, i32, i32
  }
  func.func @transform_2(%arg0: i32) -> (i32, i32) {
    %c0_i32 = arith.constant 0 : i32
    %c0_i32_0 = arith.constant 0 : i32
    %c0_i32_1 = arith.constant 0 : i32
    return %c0_i32, %c0_i32_0 : i32, i32
  }
  func.func @transform_3(%arg0: i32) -> (i32, i32, i32) {
    %c0_i32 = arith.constant 0 : i32
    %c0_i32_0 = arith.constant 0 : i32
    %c0_i32_1 = arith.constant 0 : i32
    return %arg0, %c0_i32, %c0_i32_0 : i32, i32, i32
  }
  func.func @transform_4(%arg0: i32) -> (i32, i32) {
    %c0_i32 = arith.constant 0 : i32
    %c0_i32_0 = arith.constant 0 : i32
    %c0_i32_1 = arith.constant 0 : i32
    return %c0_i32, %c0_i32_0 : i32, i32
  }
}

</mosaic_0001>

<sc_bundles>
// kernel: kernel.11.cloned.1.call-start
scs
__scs_entry_jumppad:
0x0: {  	(pc) =	sbr.rel $0x88, $3  }
0x1: {  	(tag) =	ssettag $0x0;
	lr =	simm.s32 $0x1  }
0x2: {  	[smem:$0x3F9A] =	sst lr;
	_ =	strace $0xD0000000  }
0x3: {  	_ = 	snop  }
0x4: {  	_ = 	snop  }
0x5: {  	_ = 	snop  }
0x6: {  	_ = 	snop  }
0x7: {  	_ = 	snop  }
__scs_overlays_trampoline_lowered:
0x8: {  	[smem:$0x3FA9] =	sst s0  }
0x9: {  	[smem:$0x3FAA] =	sst s1  }
0xa: {  	[smem:$0x3FAB] =	sst s2  }
0xb: {  	[smem:$0x3FAC] =	sst s3  }
0xc: {  	[smem:$0x3FAD] =	sst s4  }
0xd: {  	[smem:$0x3FAE] =	sst s5  }
0xe: {  	[smem:$0x3FAF] =	sst s6  }
0xf: {  	[smem:$0x3FB0] =	sst s7  }
0x10: {  	[smem:$0x3FB1] =	sst s8  }
0x11: {  	[smem:$0x3FB2] =	sst s9;
	s0 =	simm.s32 @!p0 $0x0  }
0x12: {  	s1 =	sld [smem:$0x3F98];
	s0 =	simm.s32 @p0 $0x1  }
0x13: {  	[smem:$0x3FB3] =	sst s0;
	s0 =	simm.s32 @!p1 $0x0  }
0x14: {  	s2 =	sld [smem:$0x3F97];
	s0 =	simm.s32 @p1 $0x1  }
0x15: {  	[smem:$0x3FB4] =	sst s0;
	s0 =	simm.s32 @!p2 $0x0  }
0x16: {  	s3 =	sld [smem:$0x3FDB];
	s0 =	simm.s32 @p2 $0x1  }
0x17: {  	s4 =	simm.s32 $0x1BF5;
	[smem:$0x3FB6] =	sst s0  }
0x18: {  	s0 =	sld [smem:$0x3F99];
	_ =	swait.ge [sflag:s4], $0x0  }
0x19: {  	s7 =	sld [smem:$0x3F9A]  }
0x1a: {  	s8 =	sadd.s32 $0xFFFFE003, lr  }
0x1b: {  	s9 =	sadd.s32 $0xFFFFFEF7, lr;
	s5 =	simm.s32 $0xFFFFFFFF;
	p2 =	slt.u32 s8, $0xFFFFF086  }
0x1c: {  	p1 =	slt.u32 s9, $0xF7A;
	s5 =	simm.s32 @!p2 $0x0  }
0x1d: {  	s5 =	simm.s32 @p1 $0x1;
	p0 =	seq.s32 s7, s2  }
0x1e: {  	s7 =	smul.u32 @!p0 $0xF7A, s2;
	p2 =	seq.s32 @!p0 s5, $0x0  }
0x1f: {  	s9 =	smul.u32 $0xF7A, s1;
	s8 =	simm.s32 @!p0 $0x1BF5;
	p2 =	por !p2, p0  }
0x20: {  	[sflag:s8] =	ssyncset.s32 @!p0 $0xFFFFF086;
	s6 =	sadd.s32 @!p0 s3, s7;
	s7 =	simm.s32 @!p0 $0x108  }
0x21: {  	s3 =	sadd.s32 s3, s9;
	s6 =	sadd.s32 @!p0 $0x88, s6;
	s7 =	simm.s32 @p2 $0x1082  }
0x22: {  	[simem:s7], [sflag:s8] =	dma.local @!p0 [hbm:s6], $0xF7A  }
0x23: {  	s9 =	sor.u32 $0xD0000000, s2;
	s6 =	simm.s32 $0x108;
	_ =	swait.ge @!p0 [sflag:s8], $0x0  }
0x24: {  	s3 =	sadd.s32 $0x88, s3;
	s6 =	simm.s32 @!p1 $0x1082;
	[sflag:s4] =	ssyncset.s32 $0xFFFFF086  }
0x25: {  	[simem:s6], [sflag:s4] =	dma.local [hbm:s3], $0xF7A  }
0x26: {  	[smem:$0x3F9A] =	sst s1;
	(tag) =	ssettag s2;
	_ =	strace s9  }
0x27: {  	s1 =	sld [smem:$0x3FAA]  }
0x28: {  	s2 =	sld [smem:$0x3FAB]  }
0x29: {  	s4 =	sld [smem:$0x3FAD]  }
0x2a: {  	p0 =	seq.s32 s5, $0x0;
	s5 =	sld [smem:$0x3FAE]  }
0x2b: {  	s6 =	sld [smem:$0x3FAF]  }
0x2c: {  	s7 =	sld [smem:$0x3FB0]  }
0x2d: {  	s3 =	simm.s32 $0x108;
	s8 =	sld [smem:$0x3FB1]  }
0x2e: {  	s3 =	simm.s32 @!p0 $0x1082;
	s9 =	sld [smem:$0x3FB2]  }
0x2f: {  	lr =	sadd.s32 s0, s3;
	s0 =	sld [smem:$0x3FA9]  }
0x30: {  	s3 =	sld [smem:$0x3FAC]  }
0x31: {  	[smem:$0x3FB5] =	sst s10  }
0x32: {  	s10 =	sld [smem:$0x3FB3];
	_ =	sdelay $0x3  }
0x33: {  	p0 =	seq.s32 s10, $0x1;
	s10 =	sld [smem:$0x3FB5];
	_ =	sdelay $0x3  }
0x34: {  	[smem:$0x3FB5] =	sst s10  }
0x35: {  	s10 =	sld [smem:$0x3FB4];
	_ =	sdelay $0x3  }
0x36: {  	p1 =	seq.s32 s10, $0x1;
	s10 =	sld [smem:$0x3FB5];
	_ =	sdelay $0x3  }
0x37: {  	[smem:$0x3FB5] =	sst s10  }
0x38: {  	s10 =	sld [smem:$0x3FB6]  }
0x39: {  	_ = 	snop;
	(pc) =	sbr.ind lr, $3  }
0x3a: {  	_ = 	snop  }
0x3b: {  	_ = 	snop  }
0x3c: {  	p2 =	seq.s32 s10, $0x1;
	s10 =	sld [smem:$0x3FB5]  }
0x3d: {  	_ =	shalt  }
0x3e: {  	_ =	shalt  }
0x3f: {  	_ =	shalt  }
0x40: {  	_ =	shalt  }
0x41: {  	_ =	shalt  }
0x42: {  	_ =	shalt  }
0x43: {  	_ =	shalt  }
0x44: {  	_ =	shalt  }
0x45: {  	_ =	shalt  }
0x46: {  	_ =	shalt  }
0x47: {  	_ =	shalt  }
0x48: {  	_ =	shalt  }
0x49: {  	_ =	shalt  }
0x4a: {  	_ =	shalt  }
0x4b: {  	_ =	shalt  }
0x4c: {  	_ =	shalt  }
0x4d: {  	_ =	shalt  }
0x4e: {  	_ =	shalt  }
0x4f: {  	_ =	shalt  }
0x50: {  	_ =	shalt  }
0x51: {  	_ =	shalt  }
0x52: {  	_ =	shalt  }
0x53: {  	_ =	shalt  }
0x54: {  	_ =	shalt  }
0x55: {  	_ =	shalt  }
0x56: {  	_ =	shalt  }
0x57: {  	_ =	shalt  }
0x58: {  	_ =	shalt  }
0x59: {  	_ =	shalt  }
0x5a: {  	_ =	shalt  }
0x5b: {  	_ =	shalt  }
0x5c: {  	_ =	shalt  }
0x5d: {  	_ =	shalt  }
0x5e: {  	_ =	shalt  }
0x5f: {  	_ =	shalt  }
0x60: {  	_ =	shalt  }
0x61: {  	_ =	shalt  }
0x62: {  	_ =	shalt  }
0x63: {  	_ =	shalt  }
0x64: {  	_ =	shalt  }
0x65: {  	_ =	shalt  }
0x66: {  	_ =	shalt  }
0x67: {  	_ =	shalt  }
0x68: {  	_ =	shalt  }
0x69: {  	_ =	shalt  }
0x6a: {  	_ =	shalt  }
0x6b: {  	_ =	shalt  }
0x6c: {  	_ =	shalt  }
0x6d: {  	_ =	shalt  }
0x6e: {  	_ =	shalt  }
0x6f: {  	_ =	shalt  }
0x70: {  	_ =	shalt  }
0x71: {  	_ =	shalt  }
0x72: {  	_ =	shalt  }
0x73: {  	_ =	shalt  }
0x74: {  	_ =	shalt  }
0x75: {  	_ =	shalt  }
0x76: {  	_ =	shalt  }
0x77: {  	_ =	shalt  }
0x78: {  	_ =	shalt  }
0x79: {  	_ =	shalt  }
0x7a: {  	_ =	shalt  }
0x7b: {  	_ =	shalt  }
0x7c: {  	_ =	shalt  }
0x7d: {  	_ =	shalt  }
0x7e: {  	_ =	shalt  }
0x7f: {  	_ =	shalt  }
0x80: {  	_ =	shalt  }
0x81: {  	_ =	shalt  }
0x82: {  	_ =	shalt  }
0x83: {  	_ =	shalt  }
0x84: {  	_ =	shalt  }
0x85: {  	_ =	shalt  }
0x86: {  	_ =	shalt  }
0x87: {  	_ =	shalt  }
.Lfunc_end0:
.L_simem_size_0:
called_computation.1_lowered:
.L_overlay_start_0:
0x88: {  	s2 =	sld [smem:$0x3FD9]  }
0x89: {  	s3 =	sld [smem:$0x3FFE];
	_ =	sdelay $0x1  }
0x8a: {  	s1 =	srdreg.scid  }
0x8b: {  	s0 =	sand.u32 $0x1, s1  }
0x8c: {  	s16 =	sshll.u32 s0, $0xA;
	s2 =	sadd.s32 s3, s2  }
0x8d: {  	s2 =	sadd.s32 s2, s16  }
0x8e: {  	[smem:$0x3FC1] =	sst s2  }
0x8f: {  	_ = 	snop  }
0x90: {  	(tm) =	ssettm $0x1  }
0x91: {  	s17 =	sld [smem:$0x3FFB];
	_ =	sdelay $0x3  }
0x92: {  	_ =	strace s17  }
0x93: {  	s2 =	sld [smem:$0x3FFC];
	_ =	sdelay $0x3  }
0x94: {  	_ =	strace s2  }
0x95: {  	s2 =	sld [smem:$0x3FFD];
	_ =	sdelay $0x3  }
0x96: {  	_ =	strace s2  }
0x97: {  	_ =	strace $0x8FFFFFFF  }
0x98: {  	s18 =	sld [smem:$0x3FDB];
	_ =	sdelay $0x1  }
0x99: {  	s19 =	simm.s32 $_scs_section_size  }
0x9a: {  	s4 =	simm.s32 $_size__tile_overlayer_lowered;
	s5 =	simm.s32 $_tile_overlayer_lowered  }
0x9b: {  	s22 =	simm.s32 $0x1BFF;
	s21 =	sshll.u32 s5, $0x1;
	s2 =	sadd.s32 s19, s18  }
0x9c: {  	s6 =	simm.s32 $0x0;
	s20 =	sshll.u32 s4, $0x1;
	s4 =	sadd.s32 s21, s2  }
0x9d: {  	[timem:s6], [sflag:s22] =	dma.local [hbm:s4], s20  }
0x9e: {  	_ =	swait.ge [sflag:s22], s20  }
0x9f: {  	s3 =	ssub.s32 $0x0, s20;
	[sflag:s22] =	ssyncset.done $0x0  }
0xa0: {  	[sflag:s22] =	ssyncadd.s32 s3;
	_ =	sdelay $0x1  }
0xa1: {  	s23 =	simm.s32 $0x1B8B  }
0xa2: {  	_ =	swait.ge [sflag:s23], $0x1  }
0xa3: {  	[sflag:s23] =	ssyncset.done $0x0  }
0xa4: {  	s25 =	simm.s32 $0x1B8E;
	s24 =	sld [smem:$0x3FFE];
	[sflag:s23] =	ssyncadd.s32 $0xFFFFFFFF  }
0xa5: {  	s26 =	simm.s32 $execute0_lowered;
	[smem:$0x3FD2] =	sst s25  }
0xa6: {  	s4 =	sshll.u32 s26, $0x1;
	_ =	strace $0x80000049;
	[dreg:$0x1] =	wrdreg $0xFFFFFFFF  }
0xa7: {  	s28 =	simm.s32 $_size_execute0_lowered;
	s2 =	sadd.s32 s2, s4;
	[dreg:$0x0] =	wrdreg $0x0  }
0xa8: {  	s4 =	sshll.u32 s28, $0x1;
	[dreg:$0x2] =	wrdreg s2  }
0xa9: {  	[dreg:$0x3] =	wrdreg s4  }
0xaa: {  	[dreg:$0x4] =	wrdreg $0xC0  }
0xab: {  	_ =	task [dreg:s6], $0x5FFFF  }
0xac: {  	[dreg:$0x1] =	wrdreg $0xFFFFFFFF  }
0xad: {  	[dreg:$0x0] =	wrdreg $0x60  }
0xae: {  	[dreg:$0x2] =	wrdreg s24  }
0xaf: {  	[dreg:$0x3] =	wrdreg $0xA9000  }
0xb0: {  	[dreg:$0x4] =	wrdreg $0x9  }
0xb1: {  	_ =	task.clear_ibuf [dreg:s6], $0x5FFFF;
	_ =	strace $0x90000049  }
0xb2: {  	s29 =	simm.s32 $0x9;
	_ =	strace $0x8000004B  }
0xb3: {  	_ =	swait.ge [sflag:s29], $0x1  }
0xb4: {  	[sflag:s29] =	ssyncadd.s32 $0xFFFFFFFF  }
0xb5: {  	_ =	strace $0x9000004B  }
0xb6: {  	_ =	sfence  }
0xb7: {  	s30 =	sld [smem:$0x0];
	_ =	sdelay $0x2  }
0xb8: {  	s31 =	sshll.u32 s1, $0xD;
	s1 =	sshrl.u32 s1, $0x2  }
0xb9: {  	s3 =	sand.u32 $0x4000, s31;
	s1 =	sadd.s32 s1, s30  }
0xba: {  	s0 =	sor.u32 s3, s0;
	s1 =	sshll.u32 s1, $0x11  }
0xbb: {  	s0 =	sor.u32 s1, s0  }
0xbc: {  	s0 =	sadd.s32 $0x8F2B, s0  }
0xbd: {  	[sflag:s0] =	ssyncadd.remote.s32 $0x1  }
0xbe: {  	_ =	sfence.sel $0xFFFF  }
0xbf: {  	[dreg:$0x0] =	wrdreg $0xFFFFFFFF;
	(pc) =	sbr.abs _section_cstart, $3  }
0xc0: {  	[dreg:$0x1] =	wrdreg $0xFFFFFFFF  }
0xc1: {  	_ =	task.clear_ibuf [dreg:s6], $0x2FFFF;
	_ =	strace $0x9FFFFFFF  }
0xc2: {  	(tm) =	ssettm $0x7FFFFFFF  }
0xc3: {  	_ =	shalt  }
tec
execute0_lowered:
.L_overlay_start_1:
0x0: {  	(tag) =	ssettag $0x1  }
0x1: {  	s0 =	rddreg [dreg:$0x0];
	s1 =	srdreg.scid  }
0x2: {  	s16 =	stileid.u32;
	s2 =	rddreg [dreg:$0x1];
	s3 =	simm.s32 $0x0  }
0x3: {  	s17 =	simm.s32 $0x7;
	s18 =	simm.s32 $0x100;
	s19 =	simm.s32 $0x80  }
0x4: {  	s20 =	simm.s32 $0x2900;
	s21 =	simm.s32 $0x2;
	s22 =	simm.s32 $0x6900  }
0x5: {  	s28 =	simm.s32 $0x6;
	s29 =	simm.s32 $0x0;
	s7 =	smul.u32 $0x2800, s16  }
0x6: {  	s1 =	sand.u32 $0x1, s1;
	[smem:$0x7FF] =	sst s3;
	s9 =	smul.u32 $0x14000, s16  }
0x7: {  	s5 =	sadd.s32 $0x20000, s0;
	s6 =	sadd.s32 $0x16000, s0;
	s23 =	smul.u32 $0x50000, s16  }
0x8: {  	s15 =	sadd.s32 $0xC000, s0;
	s31 =	sshll.u32 s16, $0x6;
	s4 =	smul.u32 $0x28000, s1  }
0x9: {  	s8 =	smul.u32 $0x140000, s1;
	_ =	strace $0x8000004A;
	s12 =	ssub.s32 $0x2, s1  }
0xa: {  	p0 =	seq.s32 s1, $0x1;
	s24 =	sshrl.u32 s12, $0x1;
	s4 =	sadd.s32 s7, s4  }
0xb: {  	s8 =	sadd.s32 s9, s8;
	s9 =	sshrl.u32 s23, $0x2;
	s12 =	ssub.s32 s12, s24  }
0xc: {  	s7 =	sadd.s32 s5, s7;
	s23 =	simm.s32 $0x5;
	s24 =	simm.s32 $0x4  }
0xd: {  	s10 =	sshrl.u32 s4, $0x3;
	s8 =	sshrl.u32 s8, $0x3;
	s25 =	sadd.s32 s9, s2  }
0xe: {  	s12 =	smax.u32 s12, $0x1;
	s7 =	smov.u32 @p0 s15;
	s15 =	sor.u32 $0x1C07, s31  }
0xf: {  	s11 =	sadd.s32 s10, s0;
	s0 =	sadd.s32 s8, s0;
	s9 =	sadd.s32 s6, s10  }
0x10: {  	s16 =	sshrl.u32 s25, $0x3;
	s26 =	sadd.s32 $0x2000, s11;
	s30 =	sadd.s32 $0x10, s9  }
0x11: {  	s11 =	sadd.s32 $0x48000, s0;
	s13 =	sadd.s32 $0x20, s9;
	[dreg:$0x3] =	wrdreg s26  }
0x12: {  	s14 =	sadd.s32 $0x30, s9;
	[dreg:$0x4] =	wrdreg s30;
	s26 =	simm.s32 $0x3  }
.LBB2_1:
0x13: {  	[spmem:s16], [sflag:s15] =	dma.local [hbm:s7], $0x2800  }
0x14: {  	_ =	swait.ge [sflag:s17], $0x2800  }
0x15: {  	[sflag:s17] =	ssyncset.done $0x0  }
0x16: {  	s0 =	rddreg [dreg:$0x3];
	[sflag:s17] =	ssyncadd.s32 $0xFFFFD800  }
0x17: {  	[tilespmem:s18], [sflag:$0x7] =	stream.linear.gather [hbm4b:s0+s3], $0x2780, $0x38;
	[tilespmem:$0x1E900] =	vst v63  }
0x18: {  	_ =	swait.ge [sflag:s17], $0x2780  }
0x19: {  	[sflag:s17] =	ssyncset.done $0x0  }
0x1a: {  	[sflag:s17] =	ssyncadd.s32 $0xFFFFD880  }
0x1b: {  	[bflag:$0x0] =	sbarrier.arrive $0xFFFF  }
0x1c: {  	[tilespmem:s3], [sflag:$0x7] =	stream.linear.gather [hbm4b:s9+s3], $0x80, $0x38;
	[tilespmem:$0x1E900] =	vst v63  }
0x1d: {  	_ =	swait.ge [sflag:s17], $0x80  }
0x1e: {  	[sflag:s17] =	ssyncset.done $0x0  }
0x1f: {  	s10 =	rddreg [dreg:$0x4];
	[sflag:s17] =	ssyncadd.s32 $0xFFFFFF80  }
0x20: {  	[tilespmem:s19], [sflag:$0x2] =	stream.linear.gather [hbm4b:s10+s3], $0x80, $0x38;
	[tilespmem:$0x1E900] =	vst v63  }
0x21: {  	_ = 	snop  }
0x22: {  	[tilespmem:s20], [sflag:$0x3] =	stream.indirect.gather [hbm4b:s5+s19], $0x80, s3, s19, $0xb8;
	[tilespmem:$0x1E900] =	vst v63  }
0x23: {  	_ =	swait.ge [sflag:s21], $0x80  }
0x24: {  	[sflag:s21] =	ssyncset.done $0x0  }
0x25: {  	[sflag:s21] =	ssyncadd.s32 $0xFFFFFF80  }
0x26: {  	[tilespmem:s22], [sflag:$0x4] =	stream.indirect.gather [hbm4b:s5+s19], $0x80, s19, s19, $0xb8;
	[tilespmem:$0x1E900] =	vst v63  }
0x27: {  	_ =	swait.ge [sflag:s26], $0x4000  }
0x28: {  	[sflag:s26] =	ssyncset.done $0x0  }
0x29: {  	[sflag:s26] =	ssyncadd.s32 $0xFFFFC000  }
0x2a: {  	[spmem:s2] =	stream.indirect.scatter.add.f32 [tilespmem:s20], [sflag:$0x5], $0x80, s18, s19, $0xb8;
	[tilespmem:$0x1E900] =	vst v63  }
0x2b: {  	_ = 	snop  }
0x2c: {  	[tilespmem:s3], [sflag:$0x1] =	stream.linear.gather [hbm4b:s13+s3], $0x80, $0x38;
	[tilespmem:$0x1E900] =	vst v63  }
0x2d: {  	_ =	swait.ge [sflag:s23], $0x4000  }
0x2e: {  	[sflag:s23] =	ssyncset.done $0x0  }
0x2f: {  	s30 =	simm.s32 $0x1;
	[sflag:s23] =	ssyncadd.s32 $0xFFFFC000  }
0x30: {  	_ =	swait.ge [sflag:s30], $0x80  }
0x31: {  	[sflag:s30] =	ssyncset.done $0x0  }
0x32: {  	[sflag:s30] =	ssyncadd.s32 $0xFFFFFF80  }
0x33: {  	[tilespmem:s20], [sflag:$0x3] =	stream.indirect.gather [hbm4b:s5+s19], $0x80, s3, s19, $0xb8;
	[tilespmem:$0x1E900] =	vst v63  }
0x34: {  	_ =	swait.ge [sflag:s24], $0x4000  }
0x35: {  	[sflag:s24] =	ssyncset.done $0x0  }
0x36: {  	s25 =	simm.s32 $0x180;
	[sflag:s24] =	ssyncadd.s32 $0xFFFFC000  }
0x37: {  	[spmem:s2] =	stream.indirect.scatter.add.f32 [tilespmem:s22], [sflag:$0x6], $0x80, s25, s19, $0xb8;
	[tilespmem:$0x1E900] =	vst v63  }
0x38: {  	s31 =	simm.s32 $0x280;
	s1 =	simm.s32 $0x200;
	s0 =	simm.s32 $0x3  }
0x39: {  	[tilespmem:s19], [sflag:$0x2] =	stream.linear.gather [hbm4b:s14+s3], $0x80, $0x38;
	[tilespmem:$0x1E900] =	vst v63  }
.LBB2_2:
0x3a: {  	p0 =	sgt.u32 s0, $0x4E  }
0x3b: {  	s25 =	simm.s32 @!p0 $0x6  }
0x3c: {  	_ =	swait.ge @!p0 [sflag:s25], $0x4000  }
0x3d: {  	[sflag:s25] =	ssyncset.done @!p0 $0x0  }
0x3e: {  	[sflag:s25] =	ssyncadd.s32 @!p0 $0xFFFFC000;
	s25 =	simm.s32 @!p0 $0x2  }
0x3f: {  	_ =	swait.ge @!p0 [sflag:s25], $0x80  }
0x40: {  	[sflag:s25] =	ssyncset.done @!p0 $0x0  }
0x41: {  	s8 =	simm.s32 @!p0 $0x6900;
	[sflag:s25] =	ssyncadd.s32 @!p0 $0xFFFFFF80;
	s25 =	simm.s32 @!p0 $0x80  }
0x42: {  	[tilespmem:s8], [sflag:$0x4] =	stream.indirect.gather @!p0 [hbm4b:s5+s25], $0x80, s25, s25, $0xb8;
	[tilespmem:$0x1E900] =	vst v63  }
0x43: {  	p0 =	seq.s32 s31, $0x2880  }
0x44: {  	_ =	swait.ge [sflag:s26], $0x4000;
	s8 =	sadd.s32 @!p0 $0xFFFFFF80, s31  }
0x45: {  	[sflag:s26] =	ssyncset.done $0x0;
	s25 =	sand.u32 @!p0 $0x7C00, s8  }
0x46: {  	s8 =	sand.u32 @!p0 $0x300, s8;
	[sflag:s26] =	ssyncadd.s32 $0xFFFFC000;
	s25 =	sadd.s32 @!p0 s4, s25  }
0x47: {  	[spmem:s2] =	stream.indirect.scatter.add.f32 [tilespmem:s20], [sflag:$0x5], $0x80, s1, s19, $0xb8;
	[tilespmem:$0x1E900] =	vst v63  }
0x48: {  	s8 =	sor.u32 @!p0 s8, s25  }
0x49: {  	p1 =	sgt.u32 @!p0 s0, $0x4E;
	s8 =	sshrl.u32 @!p0 s8, $0x3  }
0x4a: {  	p2 =	por p1, p0;
	s25 =	simm.s32 @!p0 $0x0;
	s8 =	sadd.s32 @!p0 s6, s8  }
0x4b: {  	[tilespmem:s25], [sflag:$0x1] =	stream.linear.gather @!p0 [hbm4b:s8+s25], $0x80, $0x38;
	[tilespmem:$0x1E900] =	vst v63  }
0x4c: {  	s8 =	simm.s32 @!p2 $0x5  }
0x4d: {  	_ =	swait.ge @!p2 [sflag:s8], $0x4000  }
0x4e: {  	[sflag:s8] =	ssyncset.done @!p2 $0x0  }
0x4f: {  	[sflag:s8] =	ssyncadd.s32 @!p2 $0xFFFFC000;
	s8 =	simm.s32 @!p2 $0x1  }
0x50: {  	_ =	swait.ge @!p2 [sflag:s8], $0x80  }
0x51: {  	s10 =	simm.s32 @!p2 $0x2900;
	[sflag:s8] =	ssyncset.done @!p2 $0x0  }
0x52: {  	s25 =	simm.s32 @!p2 $0x0;
	[sflag:s8] =	ssyncadd.s32 @!p2 $0xFFFFFF80;
	s8 =	simm.s32 @!p2 $0x80  }
0x53: {  	[tilespmem:s10], [sflag:$0x3] =	stream.indirect.gather @!p2 [hbm4b:s5+s8], $0x80, s25, s8, $0xb8;
	[tilespmem:$0x1E900] =	vst v63  }
0x54: {  	s10 =	simm.s32 @!p2 $0x4  }
0x55: {  	_ =	swait.ge @!p2 [sflag:s10], $0x4000  }
0x56: {  	[sflag:s10] =	ssyncset.done @!p2 $0x0  }
0x57: {  	s25 =	simm.s32 @!p2 $0x6900;
	[sflag:s10] =	ssyncadd.s32 @!p2 $0xFFFFC000;
	s10 =	sadd.s32 @!p2 $0x80, s1  }
0x58: {  	[spmem:s2] =	stream.indirect.scatter.add.f32 @!p2 [tilespmem:s25], [sflag:$0x6], $0x80, s10, s8, $0xb8;
	[tilespmem:$0x1E900] =	vst v63  }
0x59: {  	p2 =	sgt.u32 @!p2 s30, $0x25  }
0x5a: {  	p1 =	por @!p0 p2, p1  }
0x5b: {  	p1 =	por p1, p0  }
0x5c: {  	s8 =	sand.u32 @!p1 $0x7C00, s31  }
0x5d: {  	s10 =	sand.u32 @!p1 $0x380, s31;
	s8 =	sadd.s32 @!p1 s4, s8  }
0x5e: {  	s8 =	sor.u32 @!p1 s10, s8  }
0x5f: {  	s25 =	simm.s32 @!p1 $0x80;
	s8 =	sshrl.u32 @!p1 s8, $0x3  }
0x60: {  	s31 =	sadd.s32 @!p0 $0x100, s31;
	s10 =	simm.s32 @!p1 $0x0;
	s8 =	sadd.s32 @!p1 s6, s8  }
0x61: {  	[tilespmem:s25], [sflag:$0x2] =	stream.linear.gather @!p1 [hbm4b:s8+s10], $0x80, $0x38;
	[tilespmem:$0x1E900] =	vst v63  }
0x62: {  	p1 =	sne.s32 @!p0 s31, $0x2980  }
0x63: {  	p1 =	por p0, !p1  }
.Ltmp0:
0x64: {  	_ = 	snop;
	(pc) =	sbr.rel @!p1 .LBB2_2-.Ltmp0, $2  }
0x65: {  	_ =	sdelay $0x2  }
0x66: {  	s0 =	sadd.s32 @!p0 $0x2, s0;
	s1 =	sadd.s32 @!p0 $0x100, s1;
	s30 =	sadd.s32 @!p0 $0x1, s30  }
0x67: {  	_ =	swait.ge [sflag:s23], $0x4000  }
0x68: {  	[sflag:s23] =	ssyncset.done $0x0  }
0x69: {  	[sflag:s23] =	ssyncadd.s32 $0xFFFFC000  }
0x6a: {  	_ =	swait.ge [sflag:s28], $0x4000  }
0x6b: {  	s29 =	sadd.s32 $0x1, s29;
	[sflag:s28] =	ssyncset.done $0x0  }
0x6c: {  	p0 =	sne.s32 s29, s12;
	[sflag:s28] =	ssyncadd.s32 $0xFFFFC000  }
.Ltmp1:
0x6d: {  	[bflag:$0x0] =	sbarrier.arrive $0xFFFF;
	(pc) =	sbr.rel @p0 .LBB2_1-.Ltmp1, $4  }
0x6e: {  	[hbm:s11], [sflag:s15] =	dma.local [spmem:s16], $0x2800  }
0x6f: {  	_ =	swait.ge [sflag:s17], $0x2800  }
0x70: {  	[sflag:s17] =	ssyncset.done $0x0  }
0x71: {  	[sflag:s17] =	ssyncadd.s32 $0xFFFFD800  }
0x72: {  	_ =	sfence.sel $0x180000  }
0x73: {  	[bflag:$0x0] =	sbarrier.arrive $0xFFFF  }
0x74: {  	_ =	strace $0x9000004A  }
0x75: {  	s0 =	stileid.u32;
	[bflag:$0x2] =	sbarrier.arrive $0xFFFF  }
0x76: {  	p0 =	sne.s32 s0, $0x0;
	s0 =	rddreg [dreg:$0x2]  }
0x77: {  	s0 =	sadd.s32 @!p0 $0x100000, s0  }
0x78: {  	[sflag:s0] =	ssyncadd.tile.s32 @!p0 $0x1;
	_ =	shalt  }
.Lfunc_end2:
_tile_overlayer_lowered:
.L_overlay_start_2:
0x79: {  	(tag) =	ssettag $0x2  }
0x7a: {  	s0 =	rddreg [dreg:$0x0];
	s2 =	stileid.u32  }
0x7b: {  	s1 =	rddreg [dreg:$0x1];
	p0 =	sne.s32 s2, $0x0  }
0x7c: {  	s3 =	rddreg [dreg:$0x2];
	[bflag:$0x3] =	sbarrier.arrive $0xFFFF;
	s2 =	simm.s32 @!p0 $0x1C07  }
0x7d: {  	[timem:s3], [sflag:s2] =	dma.local @!p0 [hbm:s0], s1  }
0x7e: {  	s0 =	simm.s32 @!p0 $0x7  }
0x7f: {  	_ =	swait.ge @!p0 [sflag:s0], s1  }
0x80: {  	s1 =	ssub.s32 @!p0 $0x0, s1;
	[sflag:s0] =	ssyncset.done @!p0 $0x0  }
0x81: {  	[sflag:s0] =	ssyncadd.s32 @!p0 s1  }
0x82: {  	[bflag:$0x3] =	sbarrier.arrive $0xFFFF  }
0x83: {  	_ =	shalt  }

// kernel: kernel.14.cloned.1.call-start
scs
__scs_entry_jumppad:
0x0: {  	(pc) =	sbr.rel $0x88, $3  }
0x1: {  	(tag) =	ssettag $0x0;
	lr =	simm.s32 $0x1  }
0x2: {  	[smem:$0x3F9A] =	sst lr;
	_ =	strace $0xD0000000  }
0x3: {  	_ = 	snop  }
0x4: {  	_ = 	snop  }
0x5: {  	_ = 	snop  }
0x6: {  	_ = 	snop  }
0x7: {  	_ = 	snop  }
__scs_overlays_trampoline_lowered:
0x8: {  	[smem:$0x3FA9] =	sst s0  }
0x9: {  	[smem:$0x3FAA] =	sst s1  }
0xa: {  	[smem:$0x3FAB] =	sst s2  }
0xb: {  	[smem:$0x3FAC] =	sst s3  }
0xc: {  	[smem:$0x3FAD] =	sst s4  }
0xd: {  	[smem:$0x3FAE] =	sst s5  }
0xe: {  	[smem:$0x3FAF] =	sst s6  }
0xf: {  	[smem:$0x3FB0] =	sst s7  }
0x10: {  	[smem:$0x3FB1] =	sst s8  }
0x11: {  	[smem:$0x3FB2] =	sst s9;
	s0 =	simm.s32 @!p0 $0x0  }
0x12: {  	s1 =	sld [smem:$0x3F98];
	s0 =	simm.s32 @p0 $0x1  }
0x13: {  	[smem:$0x3FB3] =	sst s0;
	s0 =	simm.s32 @!p1 $0x0  }
0x14: {  	s2 =	sld [smem:$0x3F97];
	s0 =	simm.s32 @p1 $0x1  }
0x15: {  	[smem:$0x3FB4] =	sst s0;
	s0 =	simm.s32 @!p2 $0x0  }
0x16: {  	s3 =	sld [smem:$0x3FDB];
	s0 =	simm.s32 @p2 $0x1  }
0x17: {  	s4 =	simm.s32 $0x1BF5;
	[smem:$0x3FB6] =	sst s0  }
0x18: {  	s0 =	sld [smem:$0x3F99];
	_ =	swait.ge [sflag:s4], $0x0  }
0x19: {  	s7 =	sld [smem:$0x3F9A]  }
0x1a: {  	s8 =	sadd.s32 $0xFFFFE003, lr  }
0x1b: {  	s9 =	sadd.s32 $0xFFFFFEF7, lr;
	s5 =	simm.s32 $0xFFFFFFFF;
	p2 =	slt.u32 s8, $0xFFFFF086  }
0x1c: {  	p1 =	slt.u32 s9, $0xF7A;
	s5 =	simm.s32 @!p2 $0x0  }
0x1d: {  	s5 =	simm.s32 @p1 $0x1;
	p0 =	seq.s32 s7, s2  }
0x1e: {  	s7 =	smul.u32 @!p0 $0xF7A, s2;
	p2 =	seq.s32 @!p0 s5, $0x0  }
0x1f: {  	s9 =	smul.u32 $0xF7A, s1;
	s8 =	simm.s32 @!p0 $0x1BF5;
	p2 =	por !p2, p0  }
0x20: {  	[sflag:s8] =	ssyncset.s32 @!p0 $0xFFFFF086;
	s6 =	sadd.s32 @!p0 s3, s7;
	s7 =	simm.s32 @!p0 $0x108  }
0x21: {  	s3 =	sadd.s32 s3, s9;
	s6 =	sadd.s32 @!p0 $0x88, s6;
	s7 =	simm.s32 @p2 $0x1082  }
0x22: {  	[simem:s7], [sflag:s8] =	dma.local @!p0 [hbm:s6], $0xF7A  }
0x23: {  	s9 =	sor.u32 $0xD0000000, s2;
	s6 =	simm.s32 $0x108;
	_ =	swait.ge @!p0 [sflag:s8], $0x0  }
0x24: {  	s3 =	sadd.s32 $0x88, s3;
	s6 =	simm.s32 @!p1 $0x1082;
	[sflag:s4] =	ssyncset.s32 $0xFFFFF086  }
0x25: {  	[simem:s6], [sflag:s4] =	dma.local [hbm:s3], $0xF7A  }
0x26: {  	[smem:$0x3F9A] =	sst s1;
	(tag) =	ssettag s2;
	_ =	strace s9  }
0x27: {  	s1 =	sld [smem:$0x3FAA]  }
0x28: {  	s2 =	sld [smem:$0x3FAB]  }
0x29: {  	s4 =	sld [smem:$0x3FAD]  }
0x2a: {  	p0 =	seq.s32 s5, $0x0;
	s5 =	sld [smem:$0x3FAE]  }
0x2b: {  	s6 =	sld [smem:$0x3FAF]  }
0x2c: {  	s7 =	sld [smem:$0x3FB0]  }
0x2d: {  	s3 =	simm.s32 $0x108;
	s8 =	sld [smem:$0x3FB1]  }
0x2e: {  	s3 =	simm.s32 @!p0 $0x1082;
	s9 =	sld [smem:$0x3FB2]  }
0x2f: {  	lr =	sadd.s32 s0, s3;
	s0 =	sld [smem:$0x3FA9]  }
0x30: {  	s3 =	sld [smem:$0x3FAC]  }
0x31: {  	[smem:$0x3FB5] =	sst s10  }
0x32: {  	s10 =	sld [smem:$0x3FB3];
	_ =	sdelay $0x3  }
0x33: {  	p0 =	seq.s32 s10, $0x1;
	s10 =	sld [smem:$0x3FB5];
	_ =	sdelay $0x3  }
0x34: {  	[smem:$0x3FB5] =	sst s10  }
0x35: {  	s10 =	sld [smem:$0x3FB4];
	_ =	sdelay $0x3  }
0x36: {  	p1 =	seq.s32 s10, $0x1;
	s10 =	sld [smem:$0x3FB5];
	_ =	sdelay $0x3  }
0x37: {  	[smem:$0x3FB5] =	sst s10  }
0x38: {  	s10 =	sld [smem:$0x3FB6]  }
0x39: {  	_ = 	snop;
	(pc) =	sbr.ind lr, $3  }
0x3a: {  	_ = 	snop  }
0x3b: {  	_ = 	snop  }
0x3c: {  	p2 =	seq.s32 s10, $0x1;
	s10 =	sld [smem:$0x3FB5]  }
0x3d: {  	_ =	shalt  }
0x3e: {  	_ =	shalt  }
0x3f: {  	_ =	shalt  }
0x40: {  	_ =	shalt  }
0x41: {  	_ =	shalt  }
0x42: {  	_ =	shalt  }
0x43: {  	_ =	shalt  }
0x44: {  	_ =	shalt  }
0x45: {  	_ =	shalt  }
0x46: {  	_ =	shalt  }
0x47: {  	_ =	shalt  }
0x48: {  	_ =	shalt  }
0x49: {  	_ =	shalt  }
0x4a: {  	_ =	shalt  }
0x4b: {  	_ =	shalt  }
0x4c: {  	_ =	shalt  }
0x4d: {  	_ =	shalt  }
0x4e: {  	_ =	shalt  }
0x4f: {  	_ =	shalt  }
0x50: {  	_ =	shalt  }
0x51: {  	_ =	shalt  }
0x52: {  	_ =	shalt  }
0x53: {  	_ =	shalt  }
0x54: {  	_ =	shalt  }
0x55: {  	_ =	shalt  }
0x56: {  	_ =	shalt  }
0x57: {  	_ =	shalt  }
0x58: {  	_ =	shalt  }
0x59: {  	_ =	shalt  }
0x5a: {  	_ =	shalt  }
0x5b: {  	_ =	shalt  }
0x5c: {  	_ =	shalt  }
0x5d: {  	_ =	shalt  }
0x5e: {  	_ =	shalt  }
0x5f: {  	_ =	shalt  }
0x60: {  	_ =	shalt  }
0x61: {  	_ =	shalt  }
0x62: {  	_ =	shalt  }
0x63: {  	_ =	shalt  }
0x64: {  	_ =	shalt  }
0x65: {  	_ =	shalt  }
0x66: {  	_ =	shalt  }
0x67: {  	_ =	shalt  }
0x68: {  	_ =	shalt  }
0x69: {  	_ =	shalt  }
0x6a: {  	_ =	shalt  }
0x6b: {  	_ =	shalt  }
0x6c: {  	_ =	shalt  }
0x6d: {  	_ =	shalt  }
0x6e: {  	_ =	shalt  }
0x6f: {  	_ =	shalt  }
0x70: {  	_ =	shalt  }
0x71: {  	_ =	shalt  }
0x72: {  	_ =	shalt  }
0x73: {  	_ =	shalt  }
0x74: {  	_ =	shalt  }
0x75: {  	_ =	shalt  }
0x76: {  	_ =	shalt  }
0x77: {  	_ =	shalt  }
0x78: {  	_ =	shalt  }
0x79: {  	_ =	shalt  }
0x7a: {  	_ =	shalt  }
0x7b: {  	_ =	shalt  }
0x7c: {  	_ =	shalt  }
0x7d: {  	_ =	shalt  }
0x7e: {  	_ =	shalt  }
0x7f: {  	_ =	shalt  }
0x80: {  	_ =	shalt  }
0x81: {  	_ =	shalt  }
0x82: {  	_ =	shalt  }
0x83: {  	_ =	shalt  }
0x84: {  	_ =	shalt  }
0x85: {  	_ =	shalt  }
0x86: {  	_ =	shalt  }
0x87: {  	_ =	shalt  }
.Lfunc_end0:
.L_simem_size_0:
called_computation.2_lowered:
.L_overlay_start_0:
0x88: {  	s2 =	sld [smem:$0x3FD9]  }
0x89: {  	s3 =	sld [smem:$0x3FFE];
	_ =	sdelay $0x1  }
0x8a: {  	s1 =	srdreg.scid  }
0x8b: {  	s0 =	sand.u32 $0x1, s1  }
0x8c: {  	s16 =	sshll.u32 s0, $0xA;
	s2 =	sadd.s32 s3, s2  }
0x8d: {  	s2 =	sadd.s32 s2, s16  }
0x8e: {  	[smem:$0x3FC1] =	sst s2  }
0x8f: {  	_ = 	snop  }
0x90: {  	(tm) =	ssettm $0x1  }
0x91: {  	s17 =	sld [smem:$0x3FFB];
	_ =	sdelay $0x3  }
0x92: {  	_ =	strace s17  }
0x93: {  	s2 =	sld [smem:$0x3FFC];
	_ =	sdelay $0x3  }
0x94: {  	_ =	strace s2  }
0x95: {  	s2 =	sld [smem:$0x3FFD];
	_ =	sdelay $0x3  }
0x96: {  	_ =	strace s2  }
0x97: {  	_ =	strace $0x8FFFFFFF  }
0x98: {  	s18 =	sld [smem:$0x3FDB];
	_ =	sdelay $0x1  }
0x99: {  	s19 =	simm.s32 $_scs_section_size  }
0x9a: {  	s4 =	simm.s32 $_size__tile_overlayer_lowered;
	s5 =	simm.s32 $_tile_overlayer_lowered  }
0x9b: {  	s22 =	simm.s32 $0x1BFF;
	s21 =	sshll.u32 s5, $0x1;
	s2 =	sadd.s32 s19, s18  }
0x9c: {  	s6 =	simm.s32 $0x0;
	s20 =	sshll.u32 s4, $0x1;
	s4 =	sadd.s32 s21, s2  }
0x9d: {  	[timem:s6], [sflag:s22] =	dma.local [hbm:s4], s20  }
0x9e: {  	_ =	swait.ge [sflag:s22], s20  }
0x9f: {  	s3 =	ssub.s32 $0x0, s20;
	[sflag:s22] =	ssyncset.done $0x0  }
0xa0: {  	[sflag:s22] =	ssyncadd.s32 s3;
	_ =	sdelay $0x1  }
0xa1: {  	s23 =	simm.s32 $0x1B8B  }
0xa2: {  	_ =	swait.ge [sflag:s23], $0x1  }
0xa3: {  	[sflag:s23] =	ssyncset.done $0x0  }
0xa4: {  	s25 =	simm.s32 $0x1B8E;
	s24 =	sld [smem:$0x3FFE];
	[sflag:s23] =	ssyncadd.s32 $0xFFFFFFFF  }
0xa5: {  	s26 =	simm.s32 $execute0_lowered;
	[smem:$0x3FD2] =	sst s25  }
0xa6: {  	s4 =	sshll.u32 s26, $0x1;
	_ =	strace $0x8000004C;
	[dreg:$0x1] =	wrdreg $0xFFFFFFFF  }
0xa7: {  	s28 =	simm.s32 $_size_execute0_lowered;
	s2 =	sadd.s32 s2, s4;
	[dreg:$0x0] =	wrdreg $0x0  }
0xa8: {  	s4 =	sshll.u32 s28, $0x1;
	[dreg:$0x2] =	wrdreg s2  }
0xa9: {  	[dreg:$0x3] =	wrdreg s4  }
0xaa: {  	[dreg:$0x4] =	wrdreg $0xC0  }
0xab: {  	_ =	task [dreg:s6], $0x5FFFF  }
0xac: {  	[dreg:$0x1] =	wrdreg $0xFFFFFFFF  }
0xad: {  	[dreg:$0x0] =	wrdreg $0x60  }
0xae: {  	[dreg:$0x2] =	wrdreg s24  }
0xaf: {  	[dreg:$0x3] =	wrdreg $0xA9000  }
0xb0: {  	[dreg:$0x4] =	wrdreg $0x9  }
0xb1: {  	_ =	task.clear_ibuf [dreg:s6], $0x5FFFF;
	_ =	strace $0x9000004C  }
0xb2: {  	s29 =	simm.s32 $0x9;
	_ =	strace $0x8000004E  }
0xb3: {  	_ =	swait.ge [sflag:s29], $0x1  }
0xb4: {  	[sflag:s29] =	ssyncadd.s32 $0xFFFFFFFF  }
0xb5: {  	_ =	strace $0x9000004E  }
0xb6: {  	_ =	sfence  }
0xb7: {  	s30 =	sld [smem:$0x0];
	_ =	sdelay $0x2  }
0xb8: {  	s31 =	sshll.u32 s1, $0xD;
	s1 =	sshrl.u32 s1, $0x2  }
0xb9: {  	s3 =	sand.u32 $0x4000, s31;
	s1 =	sadd.s32 s1, s30  }
0xba: {  	s0 =	sor.u32 s3, s0;
	s1 =	sshll.u32 s1, $0x11  }
0xbb: {  	s0 =	sor.u32 s1, s0  }
0xbc: {  	s0 =	sadd.s32 $0x8F2B, s0  }
0xbd: {  	[sflag:s0] =	ssyncadd.remote.s32 $0x1  }
0xbe: {  	_ =	sfence.sel $0xFFFF  }
0xbf: {  	[dreg:$0x0] =	wrdreg $0xFFFFFFFF;
	(pc) =	sbr.abs _section_cstart, $3  }
0xc0: {  	[dreg:$0x1] =	wrdreg $0xFFFFFFFF  }
0xc1: {  	_ =	task.clear_ibuf [dreg:s6], $0x2FFFF;
	_ =	strace $0x9FFFFFFF  }
0xc2: {  	(tm) =	ssettm $0x7FFFFFFF  }
0xc3: {  	_ =	shalt  }
tec
execute0_lowered:
.L_overlay_start_1:
0x0: {  	(tag) =	ssettag $0x1  }
0x1: {  	s0 =	rddreg [dreg:$0x0];
	s1 =	srdreg.scid  }
0x2: {  	s16 =	stileid.u32;
	s2 =	rddreg [dreg:$0x1];
	s3 =	simm.s32 $0x0  }
0x3: {  	s17 =	simm.s32 $0x7;
	s18 =	simm.s32 $0x100;
	s19 =	simm.s32 $0x80  }
0x4: {  	s20 =	simm.s32 $0x2900;
	s21 =	simm.s32 $0x2;
	s22 =	simm.s32 $0x6900  }
0x5: {  	s28 =	simm.s32 $0x6;
	s29 =	simm.s32 $0x0;
	s7 =	smul.u32 $0x2800, s16  }
0x6: {  	s1 =	sand.u32 $0x1, s1;
	[smem:$0x7FF] =	sst s3;
	s9 =	smul.u32 $0x14000, s16  }
0x7: {  	s5 =	sadd.s32 $0x20000, s0;
	s6 =	sadd.s32 $0x16000, s0;
	s23 =	smul.u32 $0x50000, s16  }
0x8: {  	s15 =	sadd.s32 $0xC000, s0;
	s31 =	sshll.u32 s16, $0x6;
	s4 =	smul.u32 $0x28000, s1  }
0x9: {  	s8 =	smul.u32 $0x140000, s1;
	_ =	strace $0x8000004D;
	s12 =	ssub.s32 $0x2, s1  }
0xa: {  	p0 =	seq.s32 s1, $0x1;
	s24 =	sshrl.u32 s12, $0x1;
	s4 =	sadd.s32 s7, s4  }
0xb: {  	s8 =	sadd.s32 s9, s8;
	s9 =	sshrl.u32 s23, $0x2;
	s12 =	ssub.s32 s12, s24  }
0xc: {  	s7 =	sadd.s32 s5, s7;
	s23 =	simm.s32 $0x5;
	s24 =	simm.s32 $0x4  }
0xd: {  	s10 =	sshrl.u32 s4, $0x3;
	s8 =	sshrl.u32 s8, $0x3;
	s25 =	sadd.s32 s9, s2  }
0xe: {  	s12 =	smax.u32 s12, $0x1;
	s7 =	smov.u32 @p0 s15;
	s15 =	sor.u32 $0x1C07, s31  }
0xf: {  	s11 =	sadd.s32 s10, s0;
	s0 =	sadd.s32 s8, s0;
	s9 =	sadd.s32 s6, s10  }
0x10: {  	s16 =	sshrl.u32 s25, $0x3;
	s26 =	sadd.s32 $0x2000, s11;
	s30 =	sadd.s32 $0x10, s9  }
0x11: {  	s11 =	sadd.s32 $0x48000, s0;
	s13 =	sadd.s32 $0x20, s9;
	[dreg:$0x3] =	wrdreg s26  }
0x12: {  	s14 =	sadd.s32 $0x30, s9;
	[dreg:$0x4] =	wrdreg s30;
	s26 =	simm.s32 $0x3  }
.LBB2_1:
0x13: {  	[spmem:s16], [sflag:s15] =	dma.local [hbm:s7], $0x2800  }
0x14: {  	_ =	swait.ge [sflag:s17], $0x2800  }
0x15: {  	[sflag:s17] =	ssyncset.done $0x0  }
0x16: {  	s0 =	rddreg [dreg:$0x3];
	[sflag:s17] =	ssyncadd.s32 $0xFFFFD800  }
0x17: {  	[tilespmem:s18], [sflag:$0x7] =	stream.linear.gather [hbm4b:s0+s3], $0x2780, $0x38;
	[tilespmem:$0x1E900] =	vst v63  }
0x18: {  	_ =	swait.ge [sflag:s17], $0x2780  }
0x19: {  	[sflag:s17] =	ssyncset.done $0x0  }
0x1a: {  	[sflag:s17] =	ssyncadd.s32 $0xFFFFD880  }
0x1b: {  	[bflag:$0x0] =	sbarrier.arrive $0xFFFF  }
0x1c: {  	[tilespmem:s3], [sflag:$0x7] =	stream.linear.gather [hbm4b:s9+s3], $0x80, $0x38;
	[tilespmem:$0x1E900] =	vst v63  }
0x1d: {  	_ =	swait.ge [sflag:s17], $0x80  }
0x1e: {  	[sflag:s17] =	ssyncset.done $0x0  }
0x1f: {  	s10 =	rddreg [dreg:$0x4];
	[sflag:s17] =	ssyncadd.s32 $0xFFFFFF80  }
0x20: {  	[tilespmem:s19], [sflag:$0x2] =	stream.linear.gather [hbm4b:s10+s3], $0x80, $0x38;
	[tilespmem:$0x1E900] =	vst v63  }
0x21: {  	_ = 	snop  }
0x22: {  	[tilespmem:s20], [sflag:$0x3] =	stream.indirect.gather [hbm4b:s5+s19], $0x80, s3, s19, $0xb8;
	[tilespmem:$0x1E900] =	vst v63  }
0x23: {  	_ =	swait.ge [sflag:s21], $0x80  }
0x24: {  	[sflag:s21] =	ssyncset.done $0x0  }
0x25: {  	[sflag:s21] =	ssyncadd.s32 $0xFFFFFF80  }
0x26: {  	[tilespmem:s22], [sflag:$0x4] =	stream.indirect.gather [hbm4b:s5+s19], $0x80, s19, s19, $0xb8;
	[tilespmem:$0x1E900] =	vst v63  }
0x27: {  	_ =	swait.ge [sflag:s26], $0x4000  }
0x28: {  	[sflag:s26] =	ssyncset.done $0x0  }
0x29: {  	[sflag:s26] =	ssyncadd.s32 $0xFFFFC000  }
0x2a: {  	[spmem:s2] =	stream.indirect.scatter.add.f32 [tilespmem:s20], [sflag:$0x5], $0x80, s18, s19, $0xb8;
	[tilespmem:$0x1E900] =	vst v63  }
0x2b: {  	_ = 	snop  }
0x2c: {  	[tilespmem:s3], [sflag:$0x1] =	stream.linear.gather [hbm4b:s13+s3], $0x80, $0x38;
	[tilespmem:$0x1E900] =	vst v63  }
0x2d: {  	_ =	swait.ge [sflag:s23], $0x4000  }
0x2e: {  	[sflag:s23] =	ssyncset.done $0x0  }
0x2f: {  	s30 =	simm.s32 $0x1;
	[sflag:s23] =	ssyncadd.s32 $0xFFFFC000  }
0x30: {  	_ =	swait.ge [sflag:s30], $0x80  }
0x31: {  	[sflag:s30] =	ssyncset.done $0x0  }
0x32: {  	[sflag:s30] =	ssyncadd.s32 $0xFFFFFF80  }
0x33: {  	[tilespmem:s20], [sflag:$0x3] =	stream.indirect.gather [hbm4b:s5+s19], $0x80, s3, s19, $0xb8;
	[tilespmem:$0x1E900] =	vst v63  }
0x34: {  	_ =	swait.ge [sflag:s24], $0x4000  }
0x35: {  	[sflag:s24] =	ssyncset.done $0x0  }
0x36: {  	s25 =	simm.s32 $0x180;
	[sflag:s24] =	ssyncadd.s32 $0xFFFFC000  }
0x37: {  	[spmem:s2] =	stream.indirect.scatter.add.f32 [tilespmem:s22], [sflag:$0x6], $0x80, s25, s19, $0xb8;
	[tilespmem:$0x1E900] =	vst v63  }
0x38: {  	s31 =	simm.s32 $0x280;
	s1 =	simm.s32 $0x200;
	s0 =	simm.s32 $0x3  }
0x39: {  	[tilespmem:s19], [sflag:$0x2] =	stream.linear.gather [hbm4b:s14+s3], $0x80, $0x38;
	[tilespmem:$0x1E900] =	vst v63  }
.LBB2_2:
0x3a: {  	p0 =	sgt.u32 s0, $0x4E  }
0x3b: {  	s25 =	simm.s32 @!p0 $0x6  }
0x3c: {  	_ =	swait.ge @!p0 [sflag:s25], $0x4000  }
0x3d: {  	[sflag:s25] =	ssyncset.done @!p0 $0x0  }
0x3e: {  	[sflag:s25] =	ssyncadd.s32 @!p0 $0xFFFFC000;
	s25 =	simm.s32 @!p0 $0x2  }
0x3f: {  	_ =	swait.ge @!p0 [sflag:s25], $0x80  }
0x40: {  	[sflag:s25] =	ssyncset.done @!p0 $0x0  }
0x41: {  	s8 =	simm.s32 @!p0 $0x6900;
	[sflag:s25] =	ssyncadd.s32 @!p0 $0xFFFFFF80;
	s25 =	simm.s32 @!p0 $0x80  }
0x42: {  	[tilespmem:s8], [sflag:$0x4] =	stream.indirect.gather @!p0 [hbm4b:s5+s25], $0x80, s25, s25, $0xb8;
	[tilespmem:$0x1E900] =	vst v63  }
0x43: {  	p0 =	seq.s32 s31, $0x2880  }
0x44: {  	_ =	swait.ge [sflag:s26], $0x4000;
	s8 =	sadd.s32 @!p0 $0xFFFFFF80, s31  }
0x45: {  	[sflag:s26] =	ssyncset.done $0x0;
	s25 =	sand.u32 @!p0 $0x7C00, s8  }
0x46: {  	s8 =	sand.u32 @!p0 $0x300, s8;
	[sflag:s26] =	ssyncadd.s32 $0xFFFFC000;
	s25 =	sadd.s32 @!p0 s4, s25  }
0x47: {  	[spmem:s2] =	stream.indirect.scatter.add.f32 [tilespmem:s20], [sflag:$0x5], $0x80, s1, s19, $0xb8;
	[tilespmem:$0x1E900] =	vst v63  }
0x48: {  	s8 =	sor.u32 @!p0 s8, s25  }
0x49: {  	p1 =	sgt.u32 @!p0 s0, $0x4E;
	s8 =	sshrl.u32 @!p0 s8, $0x3  }
0x4a: {  	p2 =	por p1, p0;
	s25 =	simm.s32 @!p0 $0x0;
	s8 =	sadd.s32 @!p0 s6, s8  }
0x4b: {  	[tilespmem:s25], [sflag:$0x1] =	stream.linear.gather @!p0 [hbm4b:s8+s25], $0x80, $0x38;
	[tilespmem:$0x1E900] =	vst v63  }
0x4c: {  	s8 =	simm.s32 @!p2 $0x5  }
0x4d: {  	_ =	swait.ge @!p2 [sflag:s8], $0x4000  }
0x4e: {  	[sflag:s8] =	ssyncset.done @!p2 $0x0  }
0x4f: {  	[sflag:s8] =	ssyncadd.s32 @!p2 $0xFFFFC000;
	s8 =	simm.s32 @!p2 $0x1  }
0x50: {  	_ =	swait.ge @!p2 [sflag:s8], $0x80  }
0x51: {  	s10 =	simm.s32 @!p2 $0x2900;
	[sflag:s8] =	ssyncset.done @!p2 $0x0  }
0x52: {  	s25 =	simm.s32 @!p2 $0x0;
	[sflag:s8] =	ssyncadd.s32 @!p2 $0xFFFFFF80;
	s8 =	simm.s32 @!p2 $0x80  }
0x53: {  	[tilespmem:s10], [sflag:$0x3] =	stream.indirect.gather @!p2 [hbm4b:s5+s8], $0x80, s25, s8, $0xb8;
	[tilespmem:$0x1E900] =	vst v63  }
0x54: {  	s10 =	simm.s32 @!p2 $0x4  }
0x55: {  	_ =	swait.ge @!p2 [sflag:s10], $0x4000  }
0x56: {  	[sflag:s10] =	ssyncset.done @!p2 $0x0  }
0x57: {  	s25 =	simm.s32 @!p2 $0x6900;
	[sflag:s10] =	ssyncadd.s32 @!p2 $0xFFFFC000;
	s10 =	sadd.s32 @!p2 $0x80, s1  }
0x58: {  	[spmem:s2] =	stream.indirect.scatter.add.f32 @!p2 [tilespmem:s25], [sflag:$0x6], $0x80, s10, s8, $0xb8;
	[tilespmem:$0x1E900] =	vst v63  }
0x59: {  	p2 =	sgt.u32 @!p2 s30, $0x25  }
0x5a: {  	p1 =	por @!p0 p2, p1  }
0x5b: {  	p1 =	por p1, p0  }
0x5c: {  	s8 =	sand.u32 @!p1 $0x7C00, s31  }
0x5d: {  	s10 =	sand.u32 @!p1 $0x380, s31;
	s8 =	sadd.s32 @!p1 s4, s8  }
0x5e: {  	s8 =	sor.u32 @!p1 s10, s8  }
0x5f: {  	s25 =	simm.s32 @!p1 $0x80;
	s8 =	sshrl.u32 @!p1 s8, $0x3  }
0x60: {  	s31 =	sadd.s32 @!p0 $0x100, s31;
	s10 =	simm.s32 @!p1 $0x0;
	s8 =	sadd.s32 @!p1 s6, s8  }
0x61: {  	[tilespmem:s25], [sflag:$0x2] =	stream.linear.gather @!p1 [hbm4b:s8+s10], $0x80, $0x38;
	[tilespmem:$0x1E900] =	vst v63  }
0x62: {  	p1 =	sne.s32 @!p0 s31, $0x2980  }
0x63: {  	p1 =	por p0, !p1  }
.Ltmp0:
0x64: {  	_ = 	snop;
	(pc) =	sbr.rel @!p1 .LBB2_2-.Ltmp0, $2  }
0x65: {  	_ =	sdelay $0x2  }
0x66: {  	s0 =	sadd.s32 @!p0 $0x2, s0;
	s1 =	sadd.s32 @!p0 $0x100, s1;
	s30 =	sadd.s32 @!p0 $0x1, s30  }
0x67: {  	_ =	swait.ge [sflag:s23], $0x4000  }
0x68: {  	[sflag:s23] =	ssyncset.done $0x0  }
0x69: {  	[sflag:s23] =	ssyncadd.s32 $0xFFFFC000  }
0x6a: {  	_ =	swait.ge [sflag:s28], $0x4000  }
0x6b: {  	s29 =	sadd.s32 $0x1, s29;
	[sflag:s28] =	ssyncset.done $0x0  }
0x6c: {  	p0 =	sne.s32 s29, s12;
	[sflag:s28] =	ssyncadd.s32 $0xFFFFC000  }
.Ltmp1:
0x6d: {  	[bflag:$0x0] =	sbarrier.arrive $0xFFFF;
	(pc) =	sbr.rel @p0 .LBB2_1-.Ltmp1, $4  }
0x6e: {  	[hbm:s11], [sflag:s15] =	dma.local [spmem:s16], $0x2800  }
0x6f: {  	_ =	swait.ge [sflag:s17], $0x2800  }
0x70: {  	[sflag:s17] =	ssyncset.done $0x0  }
0x71: {  	[sflag:s17] =	ssyncadd.s32 $0xFFFFD800  }
0x72: {  	_ =	sfence.sel $0x180000  }
0x73: {  	[bflag:$0x0] =	sbarrier.arrive $0xFFFF  }
0x74: {  	_ =	strace $0x9000004D  }
0x75: {  	s0 =	stileid.u32;
	[bflag:$0x2] =	sbarrier.arrive $0xFFFF  }
0x76: {  	p0 =	sne.s32 s0, $0x0;
	s0 =	rddreg [dreg:$0x2]  }
0x77: {  	s0 =	sadd.s32 @!p0 $0x100000, s0  }
0x78: {  	[sflag:s0] =	ssyncadd.tile.s32 @!p0 $0x1;
	_ =	shalt  }
.Lfunc_end2:
_tile_overlayer_lowered:
.L_overlay_start_2:
0x79: {  	(tag) =	ssettag $0x2  }
0x7a: {  	s0 =	rddreg [dreg:$0x0];
	s2 =	stileid.u32  }
0x7b: {  	s1 =	rddreg [dreg:$0x1];
	p0 =	sne.s32 s2, $0x0  }
0x7c: {  	s3 =	rddreg [dreg:$0x2];
	[bflag:$0x3] =	sbarrier.arrive $0xFFFF;
	s2 =	simm.s32 @!p0 $0x1C07  }
0x7d: {  	[timem:s3], [sflag:s2] =	dma.local @!p0 [hbm:s0], s1  }
0x7e: {  	s0 =	simm.s32 @!p0 $0x7  }
0x7f: {  	_ =	swait.ge @!p0 [sflag:s0], s1  }
0x80: {  	s1 =	ssub.s32 @!p0 $0x0, s1;
	[sflag:s0] =	ssyncset.done @!p0 $0x0  }
0x81: {  	[sflag:s0] =	ssyncadd.s32 @!p0 s1  }
0x82: {  	[bflag:$0x3] =	sbarrier.arrive $0xFFFF  }
0x83: {  	_ =	shalt  }

// kernel: kernel.8.cloned.1.call-start
scs
__scs_entry_jumppad:
0x0: {  	(pc) =	sbr.rel $0x88, $3  }
0x1: {  	(tag) =	ssettag $0x0;
	lr =	simm.s32 $0x1  }
0x2: {  	[smem:$0x3F9A] =	sst lr;
	_ =	strace $0xD0000000  }
0x3: {  	_ = 	snop  }
0x4: {  	_ = 	snop  }
0x5: {  	_ = 	snop  }
0x6: {  	_ = 	snop  }
0x7: {  	_ = 	snop  }
__scs_overlays_trampoline_lowered:
0x8: {  	[smem:$0x3FA9] =	sst s0  }
0x9: {  	[smem:$0x3FAA] =	sst s1  }
0xa: {  	[smem:$0x3FAB] =	sst s2  }
0xb: {  	[smem:$0x3FAC] =	sst s3  }
0xc: {  	[smem:$0x3FAD] =	sst s4  }
0xd: {  	[smem:$0x3FAE] =	sst s5  }
0xe: {  	[smem:$0x3FAF] =	sst s6  }
0xf: {  	[smem:$0x3FB0] =	sst s7  }
0x10: {  	[smem:$0x3FB1] =	sst s8  }
0x11: {  	[smem:$0x3FB2] =	sst s9;
	s0 =	simm.s32 @!p0 $0x0  }
0x12: {  	s1 =	sld [smem:$0x3F98];
	s0 =	simm.s32 @p0 $0x1  }
0x13: {  	[smem:$0x3FB3] =	sst s0;
	s0 =	simm.s32 @!p1 $0x0  }
0x14: {  	s2 =	sld [smem:$0x3F97];
	s0 =	simm.s32 @p1 $0x1  }
0x15: {  	[smem:$0x3FB4] =	sst s0;
	s0 =	simm.s32 @!p2 $0x0  }
0x16: {  	s3 =	sld [smem:$0x3FDB];
	s0 =	simm.s32 @p2 $0x1  }
0x17: {  	s4 =	simm.s32 $0x1BF5;
	[smem:$0x3FB6] =	sst s0  }
0x18: {  	s0 =	sld [smem:$0x3F99];
	_ =	swait.ge [sflag:s4], $0x0  }
0x19: {  	s7 =	sld [smem:$0x3F9A]  }
0x1a: {  	s8 =	sadd.s32 $0xFFFFE003, lr  }
0x1b: {  	s9 =	sadd.s32 $0xFFFFFEF7, lr;
	s5 =	simm.s32 $0xFFFFFFFF;
	p2 =	slt.u32 s8, $0xFFFFF086  }
0x1c: {  	p1 =	slt.u32 s9, $0xF7A;
	s5 =	simm.s32 @!p2 $0x0  }
0x1d: {  	s5 =	simm.s32 @p1 $0x1;
	p0 =	seq.s32 s7, s2  }
0x1e: {  	s7 =	smul.u32 @!p0 $0xF7A, s2;
	p2 =	seq.s32 @!p0 s5, $0x0  }
0x1f: {  	s9 =	smul.u32 $0xF7A, s1;
	s8 =	simm.s32 @!p0 $0x1BF5;
	p2 =	por !p2, p0  }
0x20: {  	[sflag:s8] =	ssyncset.s32 @!p0 $0xFFFFF086;
	s6 =	sadd.s32 @!p0 s3, s7;
	s7 =	simm.s32 @!p0 $0x108  }
0x21: {  	s3 =	sadd.s32 s3, s9;
	s6 =	sadd.s32 @!p0 $0x88, s6;
	s7 =	simm.s32 @p2 $0x1082  }
0x22: {  	[simem:s7], [sflag:s8] =	dma.local @!p0 [hbm:s6], $0xF7A  }
0x23: {  	s9 =	sor.u32 $0xD0000000, s2;
	s6 =	simm.s32 $0x108;
	_ =	swait.ge @!p0 [sflag:s8], $0x0  }
0x24: {  	s3 =	sadd.s32 $0x88, s3;
	s6 =	simm.s32 @!p1 $0x1082;
	[sflag:s4] =	ssyncset.s32 $0xFFFFF086  }
0x25: {  	[simem:s6], [sflag:s4] =	dma.local [hbm:s3], $0xF7A  }
0x26: {  	[smem:$0x3F9A] =	sst s1;
	(tag) =	ssettag s2;
	_ =	strace s9  }
0x27: {  	s1 =	sld [smem:$0x3FAA]  }
0x28: {  	s2 =	sld [smem:$0x3FAB]  }
0x29: {  	s4 =	sld [smem:$0x3FAD]  }
0x2a: {  	p0 =	seq.s32 s5, $0x0;
	s5 =	sld [smem:$0x3FAE]  }
0x2b: {  	s6 =	sld [smem:$0x3FAF]  }
0x2c: {  	s7 =	sld [smem:$0x3FB0]  }
0x2d: {  	s3 =	simm.s32 $0x108;
	s8 =	sld [smem:$0x3FB1]  }
0x2e: {  	s3 =	simm.s32 @!p0 $0x1082;
	s9 =	sld [smem:$0x3FB2]  }
0x2f: {  	lr =	sadd.s32 s0, s3;
	s0 =	sld [smem:$0x3FA9]  }
0x30: {  	s3 =	sld [smem:$0x3FAC]  }
0x31: {  	[smem:$0x3FB5] =	sst s10  }
0x32: {  	s10 =	sld [smem:$0x3FB3];
	_ =	sdelay $0x3  }
0x33: {  	p0 =	seq.s32 s10, $0x1;
	s10 =	sld [smem:$0x3FB5];
	_ =	sdelay $0x3  }
0x34: {  	[smem:$0x3FB5] =	sst s10  }
0x35: {  	s10 =	sld [smem:$0x3FB4];
	_ =	sdelay $0x3  }
0x36: {  	p1 =	seq.s32 s10, $0x1;
	s10 =	sld [smem:$0x3FB5];
	_ =	sdelay $0x3  }
0x37: {  	[smem:$0x3FB5] =	sst s10  }
0x38: {  	s10 =	sld [smem:$0x3FB6]  }
0x39: {  	_ = 	snop;
	(pc) =	sbr.ind lr, $3  }
0x3a: {  	_ = 	snop  }
0x3b: {  	_ = 	snop  }
0x3c: {  	p2 =	seq.s32 s10, $0x1;
	s10 =	sld [smem:$0x3FB5]  }
0x3d: {  	_ =	shalt  }
0x3e: {  	_ =	shalt  }
0x3f: {  	_ =	shalt  }
0x40: {  	_ =	shalt  }
0x41: {  	_ =	shalt  }
0x42: {  	_ =	shalt  }
0x43: {  	_ =	shalt  }
0x44: {  	_ =	shalt  }
0x45: {  	_ =	shalt  }
0x46: {  	_ =	shalt  }
0x47: {  	_ =	shalt  }
0x48: {  	_ =	shalt  }
0x49: {  	_ =	shalt  }
0x4a: {  	_ =	shalt  }
0x4b: {  	_ =	shalt  }
0x4c: {  	_ =	shalt  }
0x4d: {  	_ =	shalt  }
0x4e: {  	_ =	shalt  }
0x4f: {  	_ =	shalt  }
0x50: {  	_ =	shalt  }
0x51: {  	_ =	shalt  }
0x52: {  	_ =	shalt  }
0x53: {  	_ =	shalt  }
0x54: {  	_ =	shalt  }
0x55: {  	_ =	shalt  }
0x56: {  	_ =	shalt  }
0x57: {  	_ =	shalt  }
0x58: {  	_ =	shalt  }
0x59: {  	_ =	shalt  }
0x5a: {  	_ =	shalt  }
0x5b: {  	_ =	shalt  }
0x5c: {  	_ =	shalt  }
0x5d: {  	_ =	shalt  }
0x5e: {  	_ =	shalt  }
0x5f: {  	_ =	shalt  }
0x60: {  	_ =	shalt  }
0x61: {  	_ =	shalt  }
0x62: {  	_ =	shalt  }
0x63: {  	_ =	shalt  }
0x64: {  	_ =	shalt  }
0x65: {  	_ =	shalt  }
0x66: {  	_ =	shalt  }
0x67: {  	_ =	shalt  }
0x68: {  	_ =	shalt  }
0x69: {  	_ =	shalt  }
0x6a: {  	_ =	shalt  }
0x6b: {  	_ =	shalt  }
0x6c: {  	_ =	shalt  }
0x6d: {  	_ =	shalt  }
0x6e: {  	_ =	shalt  }
0x6f: {  	_ =	shalt  }
0x70: {  	_ =	shalt  }
0x71: {  	_ =	shalt  }
0x72: {  	_ =	shalt  }
0x73: {  	_ =	shalt  }
0x74: {  	_ =	shalt  }
0x75: {  	_ =	shalt  }
0x76: {  	_ =	shalt  }
0x77: {  	_ =	shalt  }
0x78: {  	_ =	shalt  }
0x79: {  	_ =	shalt  }
0x7a: {  	_ =	shalt  }
0x7b: {  	_ =	shalt  }
0x7c: {  	_ =	shalt  }
0x7d: {  	_ =	shalt  }
0x7e: {  	_ =	shalt  }
0x7f: {  	_ =	shalt  }
0x80: {  	_ =	shalt  }
0x81: {  	_ =	shalt  }
0x82: {  	_ =	shalt  }
0x83: {  	_ =	shalt  }
0x84: {  	_ =	shalt  }
0x85: {  	_ =	shalt  }
0x86: {  	_ =	shalt  }
0x87: {  	_ =	shalt  }
.Lfunc_end0:
.L_simem_size_0:
called_computation_lowered:
.L_overlay_start_0:
0x88: {  	s2 =	sld [smem:$0x3FD9]  }
0x89: {  	s3 =	sld [smem:$0x3FFE];
	_ =	sdelay $0x1  }
0x8a: {  	s1 =	srdreg.scid  }
0x8b: {  	s0 =	sand.u32 $0x1, s1  }
0x8c: {  	s16 =	sshll.u32 s0, $0xA;
	s2 =	sadd.s32 s3, s2  }
0x8d: {  	s2 =	sadd.s32 s2, s16  }
0x8e: {  	[smem:$0x3FC1] =	sst s2  }
0x8f: {  	_ = 	snop  }
0x90: {  	(tm) =	ssettm $0x1  }
0x91: {  	s17 =	sld [smem:$0x3FFB];
	_ =	sdelay $0x3  }
0x92: {  	_ =	strace s17  }
0x93: {  	s2 =	sld [smem:$0x3FFC];
	_ =	sdelay $0x3  }
0x94: {  	_ =	strace s2  }
0x95: {  	s2 =	sld [smem:$0x3FFD];
	_ =	sdelay $0x3  }
0x96: {  	_ =	strace s2  }
0x97: {  	_ =	strace $0x8FFFFFFF  }
0x98: {  	s18 =	sld [smem:$0x3FDB];
	_ =	sdelay $0x1  }
0x99: {  	s19 =	simm.s32 $_scs_section_size  }
0x9a: {  	s4 =	simm.s32 $_size__tile_overlayer_lowered;
	s5 =	simm.s32 $_tile_overlayer_lowered  }
0x9b: {  	s22 =	simm.s32 $0x1BFF;
	s21 =	sshll.u32 s5, $0x1;
	s2 =	sadd.s32 s19, s18  }
0x9c: {  	s6 =	simm.s32 $0x0;
	s20 =	sshll.u32 s4, $0x1;
	s4 =	sadd.s32 s21, s2  }
0x9d: {  	[timem:s6], [sflag:s22] =	dma.local [hbm:s4], s20  }
0x9e: {  	_ =	swait.ge [sflag:s22], s20  }
0x9f: {  	s3 =	ssub.s32 $0x0, s20;
	[sflag:s22] =	ssyncset.done $0x0  }
0xa0: {  	[sflag:s22] =	ssyncadd.s32 s3;
	_ =	sdelay $0x1  }
0xa1: {  	s23 =	simm.s32 $0x1B8B  }
0xa2: {  	_ =	swait.ge [sflag:s23], $0x1  }
0xa3: {  	[sflag:s23] =	ssyncset.done $0x0  }
0xa4: {  	s25 =	simm.s32 $0x1B8E;
	s24 =	sld [smem:$0x3FFE];
	[sflag:s23] =	ssyncadd.s32 $0xFFFFFFFF  }
0xa5: {  	s26 =	simm.s32 $execute0_lowered;
	[smem:$0x3FD2] =	sst s25  }
0xa6: {  	s4 =	sshll.u32 s26, $0x1;
	_ =	strace $0x80000046;
	[dreg:$0x1] =	wrdreg $0xFFFFFFFF  }
0xa7: {  	s28 =	simm.s32 $_size_execute0_lowered;
	s2 =	sadd.s32 s2, s4;
	[dreg:$0x0] =	wrdreg $0x0  }
0xa8: {  	s4 =	sshll.u32 s28, $0x1;
	[dreg:$0x2] =	wrdreg s2  }
0xa9: {  	[dreg:$0x3] =	wrdreg s4  }
0xaa: {  	[dreg:$0x4] =	wrdreg $0xC0  }
0xab: {  	_ =	task [dreg:s6], $0x5FFFF  }
0xac: {  	[dreg:$0x1] =	wrdreg $0xFFFFFFFF  }
0xad: {  	[dreg:$0x0] =	wrdreg $0x60  }
0xae: {  	[dreg:$0x2] =	wrdreg s24  }
0xaf: {  	[dreg:$0x3] =	wrdreg $0x9  }
0xb0: {  	_ =	task.clear_ibuf [dreg:s6], $0x4FFFF;
	_ =	strace $0x90000046  }
0xb1: {  	s29 =	simm.s32 $0x9;
	_ =	strace $0x80000048  }
0xb2: {  	_ =	swait.ge [sflag:s29], $0x1  }
0xb3: {  	[sflag:s29] =	ssyncadd.s32 $0xFFFFFFFF  }
0xb4: {  	_ =	strace $0x90000048  }
0xb5: {  	_ =	sfence  }
0xb6: {  	s30 =	sld [smem:$0x0];
	_ =	sdelay $0x2  }
0xb7: {  	s31 =	sshll.u32 s1, $0xD;
	s1 =	sshrl.u32 s1, $0x2  }
0xb8: {  	s3 =	sand.u32 $0x4000, s31;
	s1 =	sadd.s32 s1, s30  }
0xb9: {  	s0 =	sor.u32 s3, s0;
	s1 =	sshll.u32 s1, $0x11  }
0xba: {  	s0 =	sor.u32 s1, s0  }
0xbb: {  	s0 =	sadd.s32 $0x8F2B, s0  }
0xbc: {  	[sflag:s0] =	ssyncadd.remote.s32 $0x1  }
0xbd: {  	_ =	sfence.sel $0xFFFF  }
0xbe: {  	[dreg:$0x0] =	wrdreg $0xFFFFFFFF;
	(pc) =	sbr.abs _section_cstart, $3  }
0xbf: {  	[dreg:$0x1] =	wrdreg $0xFFFFFFFF  }
0xc0: {  	_ =	task.clear_ibuf [dreg:s6], $0x2FFFF;
	_ =	strace $0x9FFFFFFF  }
0xc1: {  	(tm) =	ssettm $0x7FFFFFFF  }
tec
execute0_lowered:
.L_overlay_start_1:
0x0: {  	(tag) =	ssettag $0x1  }
0x1: {  	s0 =	srdreg.scid  }
0x2: {  	s5 =	rddreg [dreg:$0x0];
	s3 =	sand.u32 $0x1, s0  }
0x3: {  	s0 =	stileid.u32;
	s4 =	smul.u32 $0x28000, s3  }
0x4: {  	s1 =	rddreg [dreg:$0x1];
	s6 =	smul.u32 $0x2800, s0  }
0x5: {  	s2 =	simm.s32 $0x0;
	s7 =	simm.s32 $0x2800;
	s8 =	simm.s32 $0x0  }
0x6: {  	[smem:$0x7FF] =	sst s2;
	s3 =	ssub.s32 $0x2, s3;
	s4 =	sadd.s32 s6, s4  }
0x7: {  	_ =	strace $0x80000047;
	s30 =	sshrl.u32 s3, $0x1;
	s4 =	sshrl.u32 s4, $0x3  }
0x8: {  	s31 =	ssub.s32 s3, s30;
	s6 =	simm.s32 $0x1;
	s4 =	sadd.s32 s4, s5  }
0x9: {  	v0 =	vimm.f32 $0.0e+00;
	v1 =	vimm.f32 $1.000000000e+00;
	s5 =	smax.u32 s31, $0x1;
	s3 =	sadd.s32 $0x2000, s4;
	s4 =	sadd.s32 $0xC000, s4  }
.LBB2_1:
0xa: {  	[tilespmem:s2], [sflag:$0x1] =	stream.linear.gather [hbm4b:s3+s2], $0x2780, $0x38;
	[tilespmem:$0x5000] =	vst v63  }
0xb: {  	_ =	swait.ge [sflag:s6], $0x2780  }
0xc: {  	[sflag:s6] =	ssyncset.done $0x0  }
0xd: {  	s9 =	simm.s32 $0x0;
	s10 =	simm.s32 $0x200;
	[sflag:s6] =	ssyncadd.s32 $0xFFFFD880  }
.LBB2_2:
0xe: {  	p0 =	sne.s32 s10, $0x9E00;
	[tilespmem:s9+$0x2870] =	vst v0  }
0xf: {  	[tilespmem:s9+$0x2800] =	vst v0  }
0x10: {  	[tilespmem:s9+$0x2810] =	vst v0  }
.Ltmp0:
0x11: {  	[tilespmem:s9+$0x2820] =	vst v0;
	(pc) =	sbr.rel @p0 .LBB2_2-.Ltmp0, $4  }
0x12: {  	[tilespmem:s9+$0x2830] =	vst v0  }
0x13: {  	[tilespmem:s9+$0x2840] =	vst v0  }
0x14: {  	[tilespmem:s9+$0x2850] =	vst v0  }
0x15: {  	[tilespmem:s9+$0x2860] =	vst v0;
	s9 =	sshra.s32 s10, $0x2;
	s10 =	sadd.s32 $0x200, s10  }
0x16: {  	[tilespmem:s9+$0x2870] =	vst v0  }
0x17: {  	[tilespmem:s9+$0x2800] =	vst v0  }
0x18: {  	[tilespmem:s9+$0x2810] =	vst v0  }
0x19: {  	[tilespmem:s9+$0x2820] =	vst v0  }
0x1a: {  	[tilespmem:s9+$0x2830] =	vst v0  }
0x1b: {  	[tilespmem:s9+$0x2840] =	vst v0  }
0x1c: {  	[tilespmem:s9+$0x2850] =	vst v0  }
0x1d: {  	[tilespmem:s9+$0x2860] =	vst v0;
	s9 =	simm.s32 $0x0  }
.LBB2_4:
0x1e: {  	s10 =	sshra.s32 s9, $0x2  }
0x1f: {  	v2 =	vld [tilespmem:s10+$0x0];
	_ =	sdelay $0x7  }
0x20: {  	[tilespmem:v2+s7+$0x0] =	vst.idx.add.f32.msk $0xffff, v1  }
0x21: {  	v2 =	vld [tilespmem:s10+$0x10];
	_ =	sdelay $0x7  }
0x22: {  	[tilespmem:v2+s7+$0x0] =	vst.idx.add.f32.msk $0xffff, v1  }
0x23: {  	v2 =	vld [tilespmem:s10+$0x20];
	_ =	sdelay $0x7  }
0x24: {  	[tilespmem:v2+s7+$0x0] =	vst.idx.add.f32.msk $0xffff, v1  }
0x25: {  	v2 =	vld [tilespmem:s10+$0x30];
	_ =	sdelay $0x7  }
0x26: {  	[tilespmem:v2+s7+$0x0] =	vst.idx.add.f32.msk $0xffff, v1  }
0x27: {  	v2 =	vld [tilespmem:s10+$0x40];
	_ =	sdelay $0x7  }
0x28: {  	[tilespmem:v2+s7+$0x0] =	vst.idx.add.f32.msk $0xffff, v1  }
0x29: {  	v2 =	vld [tilespmem:s10+$0x50];
	_ =	sdelay $0x7  }
0x2a: {  	[tilespmem:v2+s7+$0x0] =	vst.idx.add.f32.msk $0xffff, v1  }
0x2b: {  	v2 =	vld [tilespmem:s10+$0x60];
	_ =	sdelay $0x7  }
0x2c: {  	[tilespmem:v2+s7+$0x0] =	vst.idx.add.f32.msk $0xffff, v1  }
0x2d: {  	v2 =	vld [tilespmem:s10+$0x70];
	_ =	sdelay $0x2  }
0x2e: {  	p0 =	sne.s32 s9, $0x9C00  }
.Ltmp1:
0x2f: {  	_ = 	snop;
	(pc) =	sbr.rel @p0 .LBB2_4-.Ltmp1, $2  }
0x30: {  	_ =	sdelay $0x2  }
0x31: {  	s9 =	sadd.s32 $0x200, s9;
	[tilespmem:v2+s7+$0x0] =	vst.idx.add.f32.msk $0xffff, v1  }
0x32: {  	s8 =	sadd.s32 $0x1, s8  }
0x33: {  	p0 =	sne.s32 s8, s5  }
.Ltmp2:
0x34: {  	_ = 	snop;
	(pc) =	sbr.rel @p0 .LBB2_1-.Ltmp2, $4  }
0x35: {  	[hbm4b:s4+s2] =	stream.linear.scatter [tilespmem:s7], [sflag:$0x1], $0x2800, $0x38;
	[tilespmem:$0x5000] =	vst v63  }
0x36: {  	_ =	swait.ge [sflag:s6], $0x2800  }
0x37: {  	[sflag:s6] =	ssyncset.done $0x0  }
0x38: {  	[sflag:s6] =	ssyncadd.s32 $0xFFFFD800  }
0x39: {  	_ =	sfence.sel $0x180000  }
0x3a: {  	[bflag:$0x0] =	sbarrier.arrive $0xFFFF  }
0x3b: {  	p0 =	sne.s32 s0, $0x0;
	_ =	strace $0x90000047  }
0x3c: {  	s0 =	sadd.s32 @!p0 $0x100000, s1;
	[bflag:$0x2] =	sbarrier.arrive $0xFFFF  }
0x3d: {  	[sflag:s0] =	ssyncadd.tile.s32 @!p0 $0x1;
	_ =	shalt  }
.Lfunc_end2:
_tile_overlayer_lowered:
.L_overlay_start_2:
0x3e: {  	(tag) =	ssettag $0x2  }
0x3f: {  	s0 =	rddreg [dreg:$0x0];
	s2 =	stileid.u32  }
0x40: {  	s1 =	rddreg [dreg:$0x1];
	p0 =	sne.s32 s2, $0x0  }
0x41: {  	s3 =	rddreg [dreg:$0x2];
	[bflag:$0x3] =	sbarrier.arrive $0xFFFF;
	s2 =	simm.s32 @!p0 $0x1C01  }
0x42: {  	[timem:s3], [sflag:s2] =	dma.local @!p0 [hbm:s0], s1  }
0x43: {  	s0 =	simm.s32 @!p0 $0x1  }
0x44: {  	_ =	swait.ge @!p0 [sflag:s0], s1  }
0x45: {  	s1 =	ssub.s32 @!p0 $0x0, s1;
	[sflag:s0] =	ssyncset.done @!p0 $0x0  }
0x46: {  	[sflag:s0] =	ssyncadd.s32 @!p0 s1  }
0x47: {  	[bflag:$0x3] =	sbarrier.arrive $0xFFFF  }
0x48: {  	_ =	shalt  }

</sc_bundles>
